<compile_context>
chip_gen: v7x
topology: tpu7x:2x2x1
jax: 0.10.2.dev20260603
libtpu: 0.0.44.dev20260713+nightly
codegen_flags: <defaults>
</compile_context>

<pallas_src>
import functools

import jax
import jax.numpy as jnp
from jax import lax
from jax.experimental import pallas as pl
from jax.experimental.pallas import tpu as pltpu
from jax.experimental.pallas import tpu_sc as plsc

N_CORES = 2
N_SUBCORES = 16
N_WORKERS = N_CORES * N_SUBCORES
LANES = 16

CHUNK = 80
ROWBLK = 80


def _feat_body(x_ref, w_ref, cj_ref, o_ref):
    o_ref[...] = (
        jnp.dot(x_ref[...], w_ref[...], preferred_element_type=jnp.float32)
        * cj_ref[...]
    )


def _tc_feat(x, W, cj):
    n, d_in = x.shape
    d_out = W.shape[1]
    blk = 5000
    return pl.pallas_call(
        _feat_body,
        grid=(n // blk,),
        in_specs=[
            pl.BlockSpec((blk, d_in), lambda i: (i, 0)),
            pl.BlockSpec((d_in, d_out), lambda i: (0, 0)),
            pl.BlockSpec((blk, 1), lambda i: (i, 0)),
        ],
        out_specs=pl.BlockSpec((blk, d_out), lambda i: (i, 0)),
        out_shape=jax.ShapeDtypeStruct((n, d_out), jnp.float32),
    )(x, W, cj)


def _combine_body(p_ref, ci_ref, o_ref):
    o_ref[...] = (p_ref[0] + p_ref[1]) * ci_ref[...]


def _tc_combine(partial, ci):
    _, n, d = partial.shape
    blk = 5000
    return pl.pallas_call(
        _combine_body,
        grid=(n // blk,),
        in_specs=[
            pl.BlockSpec((2, blk, d), lambda i: (0, i, 0)),
            pl.BlockSpec((blk, 1), lambda i: (i, 0)),
        ],
        out_specs=pl.BlockSpec((blk, d), lambda i: (i, 0)),
        out_shape=jax.ShapeDtypeStruct((n, d), jnp.float32),
    )(partial, ci)


NBUF = 4


def _sc_scatter(feat, src3, dst3):
    n, d = feat.shape
    n_w, n_chunks, chunk = src3.shape
    n_rowblks = n // ROWBLK
    rowblks_per_tile = -(-n_rowblks // N_SUBCORES)
    n_full = n_chunks // NBUF
    rem = n_chunks % NBUF

    mesh = plsc.VectorSubcoreMesh(core_axis_name="c", subcore_axis_name="s")

    row_bufs = [pltpu.VMEM((chunk, d), jnp.float32) for _ in range(NBUF)]
    sidx_bufs = [pltpu.VMEM((2, chunk), jnp.int32) for _ in range(NBUF)]
    didx_bufs = [pltpu.VMEM((2, chunk), jnp.int32) for _ in range(NBUF)]
    sems = [pltpu.SemaphoreType.DMA for _ in range(3 * NBUF + 1)]

    @functools.partial(
        pl.kernel,
        mesh=mesh,
        out_type=jax.ShapeDtypeStruct((N_CORES, n, d), jnp.float32),
        scratch_types=[pltpu.VMEM_SHARED((n, d), jnp.float32)]
        + row_bufs
        + sidx_bufs
        + didx_bufs
        + sems,
    )
    def k(feat_hbm, src_hbm, dst_hbm, out_hbm, accum, *rest):
        rows = rest[:NBUF]
        sidx = rest[NBUF : 2 * NBUF]
        didx = rest[2 * NBUF : 3 * NBUF]
        isem = rest[3 * NBUF : 4 * NBUF]
        gsem = rest[4 * NBUF : 5 * NBUF]
        ssem = rest[5 * NBUF : 6 * NBUF]
        zsem = rest[6 * NBUF]

        cid = lax.axis_index("c")
        sid = lax.axis_index("s")
        wid = cid * N_SUBCORES + sid

        def istart(ch, b, p):
            pltpu.async_copy(src_hbm.at[wid, ch], sidx[b].at[p], isem[b])
            pltpu.async_copy(dst_hbm.at[wid, ch], didx[b].at[p], isem[b])

        def iwait(ch, b, p):
            pltpu.make_async_copy(src_hbm.at[wid, ch], sidx[b].at[p],
                                  isem[b]).wait()
            pltpu.make_async_copy(dst_hbm.at[wid, ch], didx[b].at[p],
                                  isem[b]).wait()

        def gstart(b, p):
            pltpu.async_copy(feat_hbm.at[sidx[b].at[p]], rows[b], gsem[b])

        def gwait(b, p):
            pltpu.make_async_copy(feat_hbm.at[sidx[b].at[p]], rows[b],
                                  gsem[b]).wait()

        def sstart(b, p):
            pltpu.async_copy(rows[b], accum.at[didx[b].at[p]], ssem[b],
                             add=True)

        def swait(b, p):
            pltpu.make_async_copy(rows[b], accum.at[didx[b].at[p]],
                                  ssem[b]).wait()

        for b in range(NBUF):
            istart(b, b, 0)

        @pl.loop(0, ROWBLK)
        def _(i):
            @pl.loop(0, d, step=LANES)
            def _(j):
                rows[0][i, pl.ds(j, LANES)] = jnp.zeros((LANES,), jnp.float32)

        @pl.loop(0, rowblks_per_tile)
        def _(i):
            rb = sid + i * N_SUBCORES

            @pl.when(rb < n_rowblks)
            def _():
                pltpu.async_copy(rows[0], accum.at[pl.ds(rb * ROWBLK, ROWBLK)],
                                 zsem)

        for b in range(1, NBUF):
            iwait(b, b, 0)
            gstart(b, 0)

        @pl.loop(0, rowblks_per_tile)
        def _(i):
            rb = sid + i * N_SUBCORES

            @pl.when(rb < n_rowblks)
            def _():
                pltpu.make_async_copy(
                    rows[0], accum.at[pl.ds(rb * ROWBLK, ROWBLK)], zsem
                ).wait()

        iwait(0, 0, 0)
        gstart(0, 0)

        plsc.subcore_barrier()

        @pl.loop(0, n_full)
        def _(g):
            c0 = g * NBUF
            p = lax.rem(g, 2)
            q = 1 - p
            for b in range(NBUF):
                gwait(b, p)
                sstart(b, p)
                nch = c0 + b + NBUF

                @pl.when(nch < n_chunks)
                def _():
                    istart(nch, b, q)

            for b in range(NBUF):
                swait(b, p)
                nch = c0 + b + NBUF

                @pl.when(nch < n_chunks)
                def _():
                    iwait(nch, b, q)
                    gstart(b, q)

        p_drain = n_full % 2
        for b in range(rem):
            gwait(b, p_drain)
            sstart(b, p_drain)
        for b in range(rem):
            swait(b, p_drain)

        plsc.subcore_barrier()

        @pl.loop(0, rowblks_per_tile)
        def _(i):
            rb = sid + i * N_SUBCORES

            @pl.when(rb < n_rowblks)
            def _():
                pltpu.async_copy(
                    accum.at[pl.ds(rb * ROWBLK, ROWBLK)],
                    out_hbm.at[cid, pl.ds(rb * ROWBLK, ROWBLK)],
                    zsem,
                )

        @pl.loop(0, rowblks_per_tile)
        def _(i):
            rb = sid + i * N_SUBCORES

            @pl.when(rb < n_rowblks)
            def _():
                pltpu.make_async_copy(
                    accum.at[pl.ds(rb * ROWBLK, ROWBLK)],
                    out_hbm.at[cid, pl.ds(rb * ROWBLK, ROWBLK)],
                    zsem,
                ).wait()

    return k(feat, src3, dst3)


def kernel(x, edge_index, cj, ci, W):
    e = edge_index.shape[1]
    e_per_w = e // N_WORKERS
    n_chunks = e_per_w // CHUNK
    src3 = edge_index[0].astype(jnp.int32).reshape(N_WORKERS, n_chunks, CHUNK)
    dst3 = edge_index[1].astype(jnp.int32).reshape(N_WORKERS, n_chunks, CHUNK)
    feat = _tc_feat(x, W, cj)
    partial = _sc_scatter(feat, src3, dst3)
    return _tc_combine(partial, ci)

# --- scband reference (transcript-rebuilt; emitter-appended) ---
"""Pipeline reference for scband-gcmcgraph-conv-88029649699239 (READ-ONLY COPY).

The authoritative reference and input builder live on the scoring server;
editing this copy changes nothing except your own understanding.
"""

import jax, jax.numpy as jnp
import numpy as np

N_NODES = 10000
N_EDGES = 320000
D_IN = 128
D_OUT = 128


def setup_inputs(seed: int = 0) -> dict:
    key = jax.random.key(seed)
    k_x, k_e, k_cj, k_ci, k_w = jax.random.split(key, 5)
    x = jax.random.normal(k_x, (N_NODES, D_IN), dtype=jnp.float32)
    edge_index = jax.random.randint(k_e, (2, N_EDGES), 0, N_NODES, dtype=jnp.int64)
    # cj/ci are degree-based normalization constants (positive), stored per node
    cj = jax.random.uniform(k_cj, (N_NODES, 1), dtype=jnp.float32)
    ci = jax.random.uniform(k_ci, (N_NODES, 1), dtype=jnp.float32)
    # xavier_uniform-like init for the weight
    limit = float(np.sqrt(6.0 / (D_IN + D_OUT)))
    W = jax.random.uniform(k_w, (D_IN, D_OUT), dtype=jnp.float32, minval=-limit, maxval=limit)
    return {"x": x, "edge_index": edge_index, "cj": cj, "ci": ci, "W": W}


def reference(x, edge_index, cj, ci, W):
    # feat = dot_or_identity(x, W): x is 2-D so it is x @ W
    feat = x @ W
    # dropout_rate = 0.0 -> dropout(cj) == cj (identity at eval / p=0)
    feat = feat * cj
    # update_all(copy_u('h','m'), sum('m','h')): gather from src, scatter-add to dst
    src = edge_index[0]
    dst = edge_index[1]
    msgs = jnp.take(feat, src, axis=0)
    agg = jax.ops.segment_sum(msgs, dst, num_segments=x.shape[0])
    rst = agg * ci
    return rst

if __name__ == "__main__":
    import jax
    _d = setup_inputs()
    print(jax.jit(kernel)(*tuple(_d.values())))

</pallas_src>

<mosaic_0001>
#map = affine_map<(d0, d1) -> (0, 0)>
#map1 = affine_map<(d0, d1) -> (0, 0, 0)>
module attributes {stable_mosaic.version = 14 : i64} {
  func.func @k(%arg0: i32, %arg1: i32, %arg2: memref<10000x128xf32, #tpu.memory_space<hbm>>, %arg3: memref<32x125x80xi32, #tpu.memory_space<hbm>>, %arg4: memref<32x125x80xi32, #tpu.memory_space<hbm>>, %arg5: memref<2x10000x128xf32, #tpu.memory_space<hbm>>, %arg6: memref<10000x128xf32, #tpu.memory_space<vmem_shared>>, %arg7: memref<80x128xf32, #tpu.memory_space<vmem>>, %arg8: memref<80x128xf32, #tpu.memory_space<vmem>>, %arg9: memref<80x128xf32, #tpu.memory_space<vmem>>, %arg10: memref<80x128xf32, #tpu.memory_space<vmem>>, %arg11: memref<2x80xi32, #tpu.memory_space<vmem>>, %arg12: memref<2x80xi32, #tpu.memory_space<vmem>>, %arg13: memref<2x80xi32, #tpu.memory_space<vmem>>, %arg14: memref<2x80xi32, #tpu.memory_space<vmem>>, %arg15: memref<2x80xi32, #tpu.memory_space<vmem>>, %arg16: memref<2x80xi32, #tpu.memory_space<vmem>>, %arg17: memref<2x80xi32, #tpu.memory_space<vmem>>, %arg18: memref<2x80xi32, #tpu.memory_space<vmem>>, %arg19: memref<!tpu.dma_semaphore, #tpu.memory_space<semaphore_mem>>, %arg20: memref<!tpu.dma_semaphore, #tpu.memory_space<semaphore_mem>>, %arg21: memref<!tpu.dma_semaphore, #tpu.memory_space<semaphore_mem>>, %arg22: memref<!tpu.dma_semaphore, #tpu.memory_space<semaphore_mem>>, %arg23: memref<!tpu.dma_semaphore, #tpu.memory_space<semaphore_mem>>, %arg24: memref<!tpu.dma_semaphore, #tpu.memory_space<semaphore_mem>>, %arg25: memref<!tpu.dma_semaphore, #tpu.memory_space<semaphore_mem>>, %arg26: memref<!tpu.dma_semaphore, #tpu.memory_space<semaphore_mem>>, %arg27: memref<!tpu.dma_semaphore, #tpu.memory_space<semaphore_mem>>, %arg28: memref<!tpu.dma_semaphore, #tpu.memory_space<semaphore_mem>>, %arg29: memref<!tpu.dma_semaphore, #tpu.memory_space<semaphore_mem>>, %arg30: memref<!tpu.dma_semaphore, #tpu.memory_space<semaphore_mem>>, %arg31: memref<!tpu.dma_semaphore, #tpu.memory_space<semaphore_mem>>) attributes {dimension_semantics = [#tpu.dimension_semantics<core_parallel>, #tpu.dimension_semantics<subcore_parallel>], iteration_bounds = array<i64: 2, 16>, scalar_prefetch = 0 : i64, scratch_operands = 26 : i64, tpu.core_type = #tpu.core_type<sc_vector_subcore>, window_params = [{transform_indices = #map}, {transform_indices = #map1}, {transform_indices = #map1}, {transform_indices = #map1}]} {
    %mul3A = arith.constant 16 : i32
    %mul3A_0 = arith.muli %arg0, %mul3A : i32
    %add3A = arith.addi %mul3A_0, %arg1 : i32
    %dma_start3A = arith.constant 0 : i32
    %dma_start3A_1 = arith.constant 0 : i32
    %dma_start3A_2 = arith.constant 0 : i32
    %dma_start3A_3 = tpu.memref_slice %arg11[%dma_start3A_1, %dma_start3A_2] : memref<2x80xi32, #tpu.memory_space<vmem>> -> memref<1x80xi32, #tpu.memory_space<vmem>>
    %dma_start3A_4 = tpu.memref_squeeze %dma_start3A_3 : memref<1x80xi32, #tpu.memory_space<vmem>> -> memref<80xi32, #tpu.memory_space<vmem>>
    %dma_start3A_5 = arith.constant 0 : i32
    %dma_start3A_6 = tpu.memref_slice %arg3[%add3A, %dma_start3A, %dma_start3A_5] : memref<32x125x80xi32, #tpu.memory_space<hbm>> -> memref<1x1x80xi32, #tpu.memory_space<hbm>>
    %dma_start3A_7 = tpu.memref_squeeze %dma_start3A_6 : memref<1x1x80xi32, #tpu.memory_space<hbm>> -> memref<80xi32, #tpu.memory_space<hbm>>
    %dma_start3A_8 = arith.constant 0 : i32
    %dma_start3A_9 = tpu.memref_slice %arg11[%dma_start3A_1, %dma_start3A_8] : memref<2x80xi32, #tpu.memory_space<vmem>> -> memref<1x80xi32, #tpu.memory_space<vmem>>
    %dma_start3A_10 = tpu.memref_squeeze %dma_start3A_9 : memref<1x80xi32, #tpu.memory_space<vmem>> -> memref<80xi32, #tpu.memory_space<vmem>>
    %dma_start3A_11 = arith.constant 0 : i32
    %dma_start3A_12 = tpu.memref_slice %arg3[%add3A, %dma_start3A, %dma_start3A_11] : memref<32x125x80xi32, #tpu.memory_space<hbm>> -> memref<1x1x80xi32, #tpu.memory_space<hbm>>
    %dma_start3A_13 = tpu.memref_squeeze %dma_start3A_12 : memref<1x1x80xi32, #tpu.memory_space<hbm>> -> memref<80xi32, #tpu.memory_space<hbm>>
    tpu.enqueue_dma source(%dma_start3A_13 : memref<80xi32, #tpu.memory_space<hbm>>) target(%dma_start3A_10 : memref<80xi32, #tpu.memory_space<vmem>>) target_semaphore(%arg19 : memref<!tpu.dma_semaphore, #tpu.memory_space<semaphore_mem>>)
    %dma_start3A_14 = arith.constant 0 : i32
    %dma_start3A_15 = arith.constant 0 : i32
    %dma_start3A_16 = arith.constant 0 : i32
    %dma_start3A_17 = tpu.memref_slice %arg15[%dma_start3A_15, %dma_start3A_16] : memref<2x80xi32, #tpu.memory_space<vmem>> -> memref<1x80xi32, #tpu.memory_space<vmem>>
    %dma_start3A_18 = tpu.memref_squeeze %dma_start3A_17 : memref<1x80xi32, #tpu.memory_space<vmem>> -> memref<80xi32, #tpu.memory_space<vmem>>
    %dma_start3A_19 = arith.constant 0 : i32
    %dma_start3A_20 = tpu.memref_slice %arg4[%add3A, %dma_start3A_14, %dma_start3A_19] : memref<32x125x80xi32, #tpu.memory_space<hbm>> -> memref<1x1x80xi32, #tpu.memory_space<hbm>>
    %dma_start3A_21 = tpu.memref_squeeze %dma_start3A_20 : memref<1x1x80xi32, #tpu.memory_space<hbm>> -> memref<80xi32, #tpu.memory_space<hbm>>
    %dma_start3A_22 = arith.constant 0 : i32
    %dma_start3A_23 = tpu.memref_slice %arg15[%dma_start3A_15, %dma_start3A_22] : memref<2x80xi32, #tpu.memory_space<vmem>> -> memref<1x80xi32, #tpu.memory_space<vmem>>
    %dma_start3A_24 = tpu.memref_squeeze %dma_start3A_23 : memref<1x80xi32, #tpu.memory_space<vmem>> -> memref<80xi32, #tpu.memory_space<vmem>>
    %dma_start3A_25 = arith.constant 0 : i32
    %dma_start3A_26 = tpu.memref_slice %arg4[%add3A, %dma_start3A_14, %dma_start3A_25] : memref<32x125x80xi32, #tpu.memory_space<hbm>> -> memref<1x1x80xi32, #tpu.memory_space<hbm>>
    %dma_start3A_27 = tpu.memref_squeeze %dma_start3A_26 : memref<1x1x80xi32, #tpu.memory_space<hbm>> -> memref<80xi32, #tpu.memory_space<hbm>>
    tpu.enqueue_dma source(%dma_start3A_27 : memref<80xi32, #tpu.memory_space<hbm>>) target(%dma_start3A_24 : memref<80xi32, #tpu.memory_space<vmem>>) target_semaphore(%arg19 : memref<!tpu.dma_semaphore, #tpu.memory_space<semaphore_mem>>)
    %dma_start3A_28 = arith.constant 1 : i32
    %dma_start3A_29 = arith.constant 0 : i32
    %dma_start3A_30 = arith.constant 0 : i32
    %dma_start3A_31 = tpu.memref_slice %arg12[%dma_start3A_29, %dma_start3A_30] : memref<2x80xi32, #tpu.memory_space<vmem>> -> memref<1x80xi32, #tpu.memory_space<vmem>>
    %dma_start3A_32 = tpu.memref_squeeze %dma_start3A_31 : memref<1x80xi32, #tpu.memory_space<vmem>> -> memref<80xi32, #tpu.memory_space<vmem>>
    %dma_start3A_33 = arith.constant 0 : i32
    %dma_start3A_34 = tpu.memref_slice %arg3[%add3A, %dma_start3A_28, %dma_start3A_33] : memref<32x125x80xi32, #tpu.memory_space<hbm>> -> memref<1x1x80xi32, #tpu.memory_space<hbm>>
    %dma_start3A_35 = tpu.memref_squeeze %dma_start3A_34 : memref<1x1x80xi32, #tpu.memory_space<hbm>> -> memref<80xi32, #tpu.memory_space<hbm>>
    %dma_start3A_36 = arith.constant 0 : i32
    %dma_start3A_37 = tpu.memref_slice %arg12[%dma_start3A_29, %dma_start3A_36] : memref<2x80xi32, #tpu.memory_space<vmem>> -> memref<1x80xi32, #tpu.memory_space<vmem>>
    %dma_start3A_38 = tpu.memref_squeeze %dma_start3A_37 : memref<1x80xi32, #tpu.memory_space<vmem>> -> memref<80xi32, #tpu.memory_space<vmem>>
    %dma_start3A_39 = arith.constant 0 : i32
    %dma_start3A_40 = tpu.memref_slice %arg3[%add3A, %dma_start3A_28, %dma_start3A_39] : memref<32x125x80xi32, #tpu.memory_space<hbm>> -> memref<1x1x80xi32, #tpu.memory_space<hbm>>
    %dma_start3A_41 = tpu.memref_squeeze %dma_start3A_40 : memref<1x1x80xi32, #tpu.memory_space<hbm>> -> memref<80xi32, #tpu.memory_space<hbm>>
    tpu.enqueue_dma source(%dma_start3A_41 : memref<80xi32, #tpu.memory_space<hbm>>) target(%dma_start3A_38 : memref<80xi32, #tpu.memory_space<vmem>>) target_semaphore(%arg20 : memref<!tpu.dma_semaphore, #tpu.memory_space<semaphore_mem>>)
    %dma_start3A_42 = arith.constant 1 : i32
    %dma_start3A_43 = arith.constant 0 : i32
    %dma_start3A_44 = arith.constant 0 : i32
    %dma_start3A_45 = tpu.memref_slice %arg16[%dma_start3A_43, %dma_start3A_44] : memref<2x80xi32, #tpu.memory_space<vmem>> -> memref<1x80xi32, #tpu.memory_space<vmem>>
    %dma_start3A_46 = tpu.memref_squeeze %dma_start3A_45 : memref<1x80xi32, #tpu.memory_space<vmem>> -> memref<80xi32, #tpu.memory_space<vmem>>
    %dma_start3A_47 = arith.constant 0 : i32
    %dma_start3A_48 = tpu.memref_slice %arg4[%add3A, %dma_start3A_42, %dma_start3A_47] : memref<32x125x80xi32, #tpu.memory_space<hbm>> -> memref<1x1x80xi32, #tpu.memory_space<hbm>>
    %dma_start3A_49 = tpu.memref_squeeze %dma_start3A_48 : memref<1x1x80xi32, #tpu.memory_space<hbm>> -> memref<80xi32, #tpu.memory_space<hbm>>
    %dma_start3A_50 = arith.constant 0 : i32
    %dma_start3A_51 = tpu.memref_slice %arg16[%dma_start3A_43, %dma_start3A_50] : memref<2x80xi32, #tpu.memory_space<vmem>> -> memref<1x80xi32, #tpu.memory_space<vmem>>
    %dma_start3A_52 = tpu.memref_squeeze %dma_start3A_51 : memref<1x80xi32, #tpu.memory_space<vmem>> -> memref<80xi32, #tpu.memory_space<vmem>>
    %dma_start3A_53 = arith.constant 0 : i32
    %dma_start3A_54 = tpu.memref_slice %arg4[%add3A, %dma_start3A_42, %dma_start3A_53] : memref<32x125x80xi32, #tpu.memory_space<hbm>> -> memref<1x1x80xi32, #tpu.memory_space<hbm>>
    %dma_start3A_55 = tpu.memref_squeeze %dma_start3A_54 : memref<1x1x80xi32, #tpu.memory_space<hbm>> -> memref<80xi32, #tpu.memory_space<hbm>>
    tpu.enqueue_dma source(%dma_start3A_55 : memref<80xi32, #tpu.memory_space<hbm>>) target(%dma_start3A_52 : memref<80xi32, #tpu.memory_space<vmem>>) target_semaphore(%arg20 : memref<!tpu.dma_semaphore, #tpu.memory_space<semaphore_mem>>)
    %dma_start3A_56 = arith.constant 2 : i32
    %dma_start3A_57 = arith.constant 0 : i32
    %dma_start3A_58 = arith.constant 0 : i32
    %dma_start3A_59 = tpu.memref_slice %arg13[%dma_start3A_57, %dma_start3A_58] : memref<2x80xi32, #tpu.memory_space<vmem>> -> memref<1x80xi32, #tpu.memory_space<vmem>>
    %dma_start3A_60 = tpu.memref_squeeze %dma_start3A_59 : memref<1x80xi32, #tpu.memory_space<vmem>> -> memref<80xi32, #tpu.memory_space<vmem>>
    %dma_start3A_61 = arith.constant 0 : i32
    %dma_start3A_62 = tpu.memref_slice %arg3[%add3A, %dma_start3A_56, %dma_start3A_61] : memref<32x125x80xi32, #tpu.memory_space<hbm>> -> memref<1x1x80xi32, #tpu.memory_space<hbm>>
    %dma_start3A_63 = tpu.memref_squeeze %dma_start3A_62 : memref<1x1x80xi32, #tpu.memory_space<hbm>> -> memref<80xi32, #tpu.memory_space<hbm>>
    %dma_start3A_64 = arith.constant 0 : i32
    %dma_start3A_65 = tpu.memref_slice %arg13[%dma_start3A_57, %dma_start3A_64] : memref<2x80xi32, #tpu.memory_space<vmem>> -> memref<1x80xi32, #tpu.memory_space<vmem>>
    %dma_start3A_66 = tpu.memref_squeeze %dma_start3A_65 : memref<1x80xi32, #tpu.memory_space<vmem>> -> memref<80xi32, #tpu.memory_space<vmem>>
    %dma_start3A_67 = arith.constant 0 : i32
    %dma_start3A_68 = tpu.memref_slice %arg3[%add3A, %dma_start3A_56, %dma_start3A_67] : memref<32x125x80xi32, #tpu.memory_space<hbm>> -> memref<1x1x80xi32, #tpu.memory_space<hbm>>
    %dma_start3A_69 = tpu.memref_squeeze %dma_start3A_68 : memref<1x1x80xi32, #tpu.memory_space<hbm>> -> memref<80xi32, #tpu.memory_space<hbm>>
    tpu.enqueue_dma source(%dma_start3A_69 : memref<80xi32, #tpu.memory_space<hbm>>) target(%dma_start3A_66 : memref<80xi32, #tpu.memory_space<vmem>>) target_semaphore(%arg21 : memref<!tpu.dma_semaphore, #tpu.memory_space<semaphore_mem>>)
    %dma_start3A_70 = arith.constant 2 : i32
    %dma_start3A_71 = arith.constant 0 : i32
    %dma_start3A_72 = arith.constant 0 : i32
    %dma_start3A_73 = tpu.memref_slice %arg17[%dma_start3A_71, %dma_start3A_72] : memref<2x80xi32, #tpu.memory_space<vmem>> -> memref<1x80xi32, #tpu.memory_space<vmem>>
    %dma_start3A_74 = tpu.memref_squeeze %dma_start3A_73 : memref<1x80xi32, #tpu.memory_space<vmem>> -> memref<80xi32, #tpu.memory_space<vmem>>
    %dma_start3A_75 = arith.constant 0 : i32
    %dma_start3A_76 = tpu.memref_slice %arg4[%add3A, %dma_start3A_70, %dma_start3A_75] : memref<32x125x80xi32, #tpu.memory_space<hbm>> -> memref<1x1x80xi32, #tpu.memory_space<hbm>>
    %dma_start3A_77 = tpu.memref_squeeze %dma_start3A_76 : memref<1x1x80xi32, #tpu.memory_space<hbm>> -> memref<80xi32, #tpu.memory_space<hbm>>
    %dma_start3A_78 = arith.constant 0 : i32
    %dma_start3A_79 = tpu.memref_slice %arg17[%dma_start3A_71, %dma_start3A_78] : memref<2x80xi32, #tpu.memory_space<vmem>> -> memref<1x80xi32, #tpu.memory_space<vmem>>
    %dma_start3A_80 = tpu.memref_squeeze %dma_start3A_79 : memref<1x80xi32, #tpu.memory_space<vmem>> -> memref<80xi32, #tpu.memory_space<vmem>>
    %dma_start3A_81 = arith.constant 0 : i32
    %dma_start3A_82 = tpu.memref_slice %arg4[%add3A, %dma_start3A_70, %dma_start3A_81] : memref<32x125x80xi32, #tpu.memory_space<hbm>> -> memref<1x1x80xi32, #tpu.memory_space<hbm>>
    %dma_start3A_83 = tpu.memref_squeeze %dma_start3A_82 : memref<1x1x80xi32, #tpu.memory_space<hbm>> -> memref<80xi32, #tpu.memory_space<hbm>>
    tpu.enqueue_dma source(%dma_start3A_83 : memref<80xi32, #tpu.memory_space<hbm>>) target(%dma_start3A_80 : memref<80xi32, #tpu.memory_space<vmem>>) target_semaphore(%arg21 : memref<!tpu.dma_semaphore, #tpu.memory_space<semaphore_mem>>)
    %dma_start3A_84 = arith.constant 3 : i32
    %dma_start3A_85 = arith.constant 0 : i32
    %dma_start3A_86 = arith.constant 0 : i32
    %dma_start3A_87 = tpu.memref_slice %arg14[%dma_start3A_85, %dma_start3A_86] : memref<2x80xi32, #tpu.memory_space<vmem>> -> memref<1x80xi32, #tpu.memory_space<vmem>>
    %dma_start3A_88 = tpu.memref_squeeze %dma_start3A_87 : memref<1x80xi32, #tpu.memory_space<vmem>> -> memref<80xi32, #tpu.memory_space<vmem>>
    %dma_start3A_89 = arith.constant 0 : i32
    %dma_start3A_90 = tpu.memref_slice %arg3[%add3A, %dma_start3A_84, %dma_start3A_89] : memref<32x125x80xi32, #tpu.memory_space<hbm>> -> memref<1x1x80xi32, #tpu.memory_space<hbm>>
    %dma_start3A_91 = tpu.memref_squeeze %dma_start3A_90 : memref<1x1x80xi32, #tpu.memory_space<hbm>> -> memref<80xi32, #tpu.memory_space<hbm>>
    %dma_start3A_92 = arith.constant 0 : i32
    %dma_start3A_93 = tpu.memref_slice %arg14[%dma_start3A_85, %dma_start3A_92] : memref<2x80xi32, #tpu.memory_space<vmem>> -> memref<1x80xi32, #tpu.memory_space<vmem>>
    %dma_start3A_94 = tpu.memref_squeeze %dma_start3A_93 : memref<1x80xi32, #tpu.memory_space<vmem>> -> memref<80xi32, #tpu.memory_space<vmem>>
    %dma_start3A_95 = arith.constant 0 : i32
    %dma_start3A_96 = tpu.memref_slice %arg3[%add3A, %dma_start3A_84, %dma_start3A_95] : memref<32x125x80xi32, #tpu.memory_space<hbm>> -> memref<1x1x80xi32, #tpu.memory_space<hbm>>
    %dma_start3A_97 = tpu.memref_squeeze %dma_start3A_96 : memref<1x1x80xi32, #tpu.memory_space<hbm>> -> memref<80xi32, #tpu.memory_space<hbm>>
    tpu.enqueue_dma source(%dma_start3A_97 : memref<80xi32, #tpu.memory_space<hbm>>) target(%dma_start3A_94 : memref<80xi32, #tpu.memory_space<vmem>>) target_semaphore(%arg22 : memref<!tpu.dma_semaphore, #tpu.memory_space<semaphore_mem>>)
    %dma_start3A_98 = arith.constant 3 : i32
    %dma_start3A_99 = arith.constant 0 : i32
    %dma_start3A_100 = arith.constant 0 : i32
    %dma_start3A_101 = tpu.memref_slice %arg18[%dma_start3A_99, %dma_start3A_100] : memref<2x80xi32, #tpu.memory_space<vmem>> -> memref<1x80xi32, #tpu.memory_space<vmem>>
    %dma_start3A_102 = tpu.memref_squeeze %dma_start3A_101 : memref<1x80xi32, #tpu.memory_space<vmem>> -> memref<80xi32, #tpu.memory_space<vmem>>
    %dma_start3A_103 = arith.constant 0 : i32
    %dma_start3A_104 = tpu.memref_slice %arg4[%add3A, %dma_start3A_98, %dma_start3A_103] : memref<32x125x80xi32, #tpu.memory_space<hbm>> -> memref<1x1x80xi32, #tpu.memory_space<hbm>>
    %dma_start3A_105 = tpu.memref_squeeze %dma_start3A_104 : memref<1x1x80xi32, #tpu.memory_space<hbm>> -> memref<80xi32, #tpu.memory_space<hbm>>
    %dma_start3A_106 = arith.constant 0 : i32
    %dma_start3A_107 = tpu.memref_slice %arg18[%dma_start3A_99, %dma_start3A_106] : memref<2x80xi32, #tpu.memory_space<vmem>> -> memref<1x80xi32, #tpu.memory_space<vmem>>
    %dma_start3A_108 = tpu.memref_squeeze %dma_start3A_107 : memref<1x80xi32, #tpu.memory_space<vmem>> -> memref<80xi32, #tpu.memory_space<vmem>>
    %dma_start3A_109 = arith.constant 0 : i32
    %dma_start3A_110 = tpu.memref_slice %arg4[%add3A, %dma_start3A_98, %dma_start3A_109] : memref<32x125x80xi32, #tpu.memory_space<hbm>> -> memref<1x1x80xi32, #tpu.memory_space<hbm>>
    %dma_start3A_111 = tpu.memref_squeeze %dma_start3A_110 : memref<1x1x80xi32, #tpu.memory_space<hbm>> -> memref<80xi32, #tpu.memory_space<hbm>>
    tpu.enqueue_dma source(%dma_start3A_111 : memref<80xi32, #tpu.memory_space<hbm>>) target(%dma_start3A_108 : memref<80xi32, #tpu.memory_space<vmem>>) target_semaphore(%arg22 : memref<!tpu.dma_semaphore, #tpu.memory_space<semaphore_mem>>)
    %scan3A = arith.constant 0 : i32
    %scan3A_112 = arith.constant 80 : i32
    %scan3A_113 = arith.addi %scan3A, %scan3A_112 : i32
    %scan3A_114 = arith.constant 1 : i32
    scf.for %scan3A_302 = %scan3A to %scan3A_113 step %scan3A_114  : i32 {
      %mul3A_303 = arith.constant 1 : i32
      %mul3A_304 = arith.muli %scan3A_302, %mul3A_303 : i32
      %add3A_305 = arith.constant 0 : i32
      %add3A_306 = arith.addi %add3A_305, %mul3A_304 : i32
      %scan3A_307 = arith.constant 0 : i32
      %scan3A_308 = arith.constant 8 : i32
      %scan3A_309 = arith.addi %scan3A_307, %scan3A_308 : i32
      %scan3A_310 = arith.constant 1 : i32
      scf.for %scan3A_312 = %scan3A_307 to %scan3A_309 step %scan3A_310  : i32 {
        %mul3A_313 = arith.constant 16 : i32
        %mul3A_314 = arith.muli %scan3A_312, %mul3A_313 : i32
        %add3A_315 = arith.constant 0 : i32
        %add3A_316 = arith.addi %add3A_315, %mul3A_314 : i32
        %broadcast_in_dim3A = arith.constant 0.000000e+00 : f32
        %broadcast_in_dim3A_317 = vector.broadcast %broadcast_in_dim3A : f32 to vector<16xf32>
        %swap3A = arith.index_cast %add3A_306 : i32 to index
        %swap3A_318 = arith.index_cast %add3A_316 : i32 to index
        %swap3A_319 = tpu.vector_load %arg7[%swap3A, %swap3A_318] {strides = array<i32>} : memref<80x128xf32, #tpu.memory_space<vmem>>, vector<1x16xf32>,
        %swap3A_320 = vector.shape_cast %swap3A_319 : vector<1x16xf32> to vector<16xf32>
        %swap3A_321 = vector.shape_cast %broadcast_in_dim3A_317 : vector<16xf32> to vector<1x16xf32>
        tpu.vector_store %arg7[%swap3A, %swap3A_318], %swap3A_321 {strides = array<i32>} : memref<80x128xf32, #tpu.memory_space<vmem>>, vector<1x16xf32>,
      }
      %scan3A_311 = arith.constant 8 : i32
    }
    %scan3A_115 = arith.constant 80 : i32
    %scan3A_116 = arith.constant 0 : i32
    %scan3A_117 = arith.constant 8 : i32
    %scan3A_118 = arith.addi %scan3A_116, %scan3A_117 : i32
    %scan3A_119 = arith.constant 1 : i32
    scf.for %scan3A_302 = %scan3A_116 to %scan3A_118 step %scan3A_119  : i32 {
      %mul3A_303 = arith.constant 1 : i32
      %mul3A_304 = arith.muli %scan3A_302, %mul3A_303 : i32
      %add3A_305 = arith.constant 0 : i32
      %add3A_306 = arith.addi %add3A_305, %mul3A_304 : i32
      %mul3A_307 = arith.constant 16 : i32
      %mul3A_308 = arith.muli %add3A_306, %mul3A_307 : i32
      %add3A_309 = arith.addi %arg1, %mul3A_308 : i32
      %lt3A = arith.constant 125 : i32
      %lt3A_310 = arith.cmpi slt, %add3A_309, %lt3A : i32
      %convert_element_type3A = arith.extui %lt3A_310 : i1 to i32
      %cond3A = arith.constant 0 : i32
      %cond3A_311 = arith.cmpi ne, %convert_element_type3A, %cond3A : i32
      scf.if %cond3A_311 {
        %mul3A_312 = arith.constant 80 : i32
        %mul3A_313 = arith.muli %add3A_309, %mul3A_312 : i32
        %dma_start3A_314 = arith.constant 0 : i32
        %dma_start3A_315 = tpu.memref_slice %arg6[%mul3A_313, %dma_start3A_314] : memref<10000x128xf32, #tpu.memory_space<vmem_shared>> -> memref<80x128xf32, #tpu.memory_space<vmem_shared>>
        %dma_start3A_316 = arith.constant 0 : i32
        %dma_start3A_317 = tpu.memref_slice %arg6[%mul3A_313, %dma_start3A_316] : memref<10000x128xf32, #tpu.memory_space<vmem_shared>> -> memref<80x128xf32, #tpu.memory_space<vmem_shared>>
        tpu.enqueue_dma source(%arg7 : memref<80x128xf32, #tpu.memory_space<vmem>>) target(%dma_start3A_317 : memref<80x128xf32, #tpu.memory_space<vmem_shared>>) target_semaphore(%arg31 : memref<!tpu.dma_semaphore, #tpu.memory_space<semaphore_mem>>)
      } else {
      }
    }
    %scan3A_120 = arith.constant 8 : i32
    %dma_wait3A = arith.constant 1 : i32
    %dma_wait3A_121 = arith.constant 0 : i32
    %dma_wait3A_122 = arith.constant 0 : i32
    %dma_wait3A_123 = tpu.memref_slice %arg12[%dma_wait3A_121, %dma_wait3A_122] : memref<2x80xi32, #tpu.memory_space<vmem>> -> memref<1x80xi32, #tpu.memory_space<vmem>>
    %dma_wait3A_124 = tpu.memref_squeeze %dma_wait3A_123 : memref<1x80xi32, #tpu.memory_space<vmem>> -> memref<80xi32, #tpu.memory_space<vmem>>
    %dma_wait3A_125 = arith.constant 0 : i32
    %dma_wait3A_126 = tpu.memref_slice %arg3[%add3A, %dma_wait3A, %dma_wait3A_125] : memref<32x125x80xi32, #tpu.memory_space<hbm>> -> memref<1x1x80xi32, #tpu.memory_space<hbm>>
    %dma_wait3A_127 = tpu.memref_squeeze %dma_wait3A_126 : memref<1x1x80xi32, #tpu.memory_space<hbm>> -> memref<80xi32, #tpu.memory_space<hbm>>
    %dma_wait3A_128 = arith.constant 0 : i32
    %dma_wait3A_129 = tpu.memref_slice %arg12[%dma_wait3A_121, %dma_wait3A_128] : memref<2x80xi32, #tpu.memory_space<vmem>> -> memref<1x80xi32, #tpu.memory_space<vmem>>
    %dma_wait3A_130 = tpu.memref_squeeze %dma_wait3A_129 : memref<1x80xi32, #tpu.memory_space<vmem>> -> memref<80xi32, #tpu.memory_space<vmem>>
    %dma_wait3A_131 = arith.constant 0 : i32
    %dma_wait3A_132 = tpu.memref_slice %arg3[%add3A, %dma_wait3A, %dma_wait3A_131] : memref<32x125x80xi32, #tpu.memory_space<hbm>> -> memref<1x1x80xi32, #tpu.memory_space<hbm>>
    %dma_wait3A_133 = tpu.memref_squeeze %dma_wait3A_132 : memref<1x1x80xi32, #tpu.memory_space<hbm>> -> memref<80xi32, #tpu.memory_space<hbm>>
    tpu.wait_dma2 semaphore(%arg20 : memref<!tpu.dma_semaphore, #tpu.memory_space<semaphore_mem>>) src(%dma_wait3A_133 : memref<80xi32, #tpu.memory_space<hbm>>) dst(%dma_wait3A_130 : memref<80xi32, #tpu.memory_space<vmem>>)
    %dma_wait3A_134 = arith.constant 1 : i32
    %dma_wait3A_135 = arith.constant 0 : i32
    %dma_wait3A_136 = arith.constant 0 : i32
    %dma_wait3A_137 = tpu.memref_slice %arg16[%dma_wait3A_135, %dma_wait3A_136] : memref<2x80xi32, #tpu.memory_space<vmem>> -> memref<1x80xi32, #tpu.memory_space<vmem>>
    %dma_wait3A_138 = tpu.memref_squeeze %dma_wait3A_137 : memref<1x80xi32, #tpu.memory_space<vmem>> -> memref<80xi32, #tpu.memory_space<vmem>>
    %dma_wait3A_139 = arith.constant 0 : i32
    %dma_wait3A_140 = tpu.memref_slice %arg4[%add3A, %dma_wait3A_134, %dma_wait3A_139] : memref<32x125x80xi32, #tpu.memory_space<hbm>> -> memref<1x1x80xi32, #tpu.memory_space<hbm>>
    %dma_wait3A_141 = tpu.memref_squeeze %dma_wait3A_140 : memref<1x1x80xi32, #tpu.memory_space<hbm>> -> memref<80xi32, #tpu.memory_space<hbm>>
    %dma_wait3A_142 = arith.constant 0 : i32
    %dma_wait3A_143 = tpu.memref_slice %arg16[%dma_wait3A_135, %dma_wait3A_142] : memref<2x80xi32, #tpu.memory_space<vmem>> -> memref<1x80xi32, #tpu.memory_space<vmem>>
    %dma_wait3A_144 = tpu.memref_squeeze %dma_wait3A_143 : memref<1x80xi32, #tpu.memory_space<vmem>> -> memref<80xi32, #tpu.memory_space<vmem>>
    %dma_wait3A_145 = arith.constant 0 : i32
    %dma_wait3A_146 = tpu.memref_slice %arg4[%add3A, %dma_wait3A_134, %dma_wait3A_145] : memref<32x125x80xi32, #tpu.memory_space<hbm>> -> memref<1x1x80xi32, #tpu.memory_space<hbm>>
    %dma_wait3A_147 = tpu.memref_squeeze %dma_wait3A_146 : memref<1x1x80xi32, #tpu.memory_space<hbm>> -> memref<80xi32, #tpu.memory_space<hbm>>
    tpu.wait_dma2 semaphore(%arg20 : memref<!tpu.dma_semaphore, #tpu.memory_space<semaphore_mem>>) src(%dma_wait3A_147 : memref<80xi32, #tpu.memory_space<hbm>>) dst(%dma_wait3A_144 : memref<80xi32, #tpu.memory_space<vmem>>)
    %dma_start3A_148 = arith.constant 0 : i32
    %dma_start3A_149 = arith.constant 0 : i32
    %dma_start3A_150 = tpu.memref_slice %arg12[%dma_start3A_148, %dma_start3A_149] : memref<2x80xi32, #tpu.memory_space<vmem>> -> memref<1x80xi32, #tpu.memory_space<vmem>>
    %dma_start3A_151 = tpu.memref_squeeze %dma_start3A_150 : memref<1x80xi32, #tpu.memory_space<vmem>> -> memref<80xi32, #tpu.memory_space<vmem>>
    %dma_start3A_152 = arith.constant 0 : i32
    %dma_start3A_153 = arith.constant 0 : i32
    %dma_start3A_154 = tpu.memref_slice %arg2[%dma_start3A_152, %dma_start3A_153] : memref<10000x128xf32, #tpu.memory_space<hbm>> -> memref<10000x128xf32, #tpu.memory_space<hbm>>
    tpu.enqueue_indirect_dma source(%dma_start3A_154 : memref<10000x128xf32, #tpu.memory_space<hbm>>) target(%arg8 : memref<80x128xf32, #tpu.memory_space<vmem>>) offsets(%dma_start3A_151 : memref<80xi32, #tpu.memory_space<vmem>>) semaphore(%arg24 : memref<!tpu.dma_semaphore, #tpu.memory_space<semaphore_mem>>)
    %dma_wait3A_155 = arith.constant 2 : i32
    %dma_wait3A_156 = arith.constant 0 : i32
    %dma_wait3A_157 = arith.constant 0 : i32
    %dma_wait3A_158 = tpu.memref_slice %arg13[%dma_wait3A_156, %dma_wait3A_157] : memref<2x80xi32, #tpu.memory_space<vmem>> -> memref<1x80xi32, #tpu.memory_space<vmem>>
    %dma_wait3A_159 = tpu.memref_squeeze %dma_wait3A_158 : memref<1x80xi32, #tpu.memory_space<vmem>> -> memref<80xi32, #tpu.memory_space<vmem>>
    %dma_wait3A_160 = arith.constant 0 : i32
    %dma_wait3A_161 = tpu.memref_slice %arg3[%add3A, %dma_wait3A_155, %dma_wait3A_160] : memref<32x125x80xi32, #tpu.memory_space<hbm>> -> memref<1x1x80xi32, #tpu.memory_space<hbm>>
    %dma_wait3A_162 = tpu.memref_squeeze %dma_wait3A_161 : memref<1x1x80xi32, #tpu.memory_space<hbm>> -> memref<80xi32, #tpu.memory_space<hbm>>
    %dma_wait3A_163 = arith.constant 0 : i32
    %dma_wait3A_164 = tpu.memref_slice %arg13[%dma_wait3A_156, %dma_wait3A_163] : memref<2x80xi32, #tpu.memory_space<vmem>> -> memref<1x80xi32, #tpu.memory_space<vmem>>
    %dma_wait3A_165 = tpu.memref_squeeze %dma_wait3A_164 : memref<1x80xi32, #tpu.memory_space<vmem>> -> memref<80xi32, #tpu.memory_space<vmem>>
    %dma_wait3A_166 = arith.constant 0 : i32
    %dma_wait3A_167 = tpu.memref_slice %arg3[%add3A, %dma_wait3A_155, %dma_wait3A_166] : memref<32x125x80xi32, #tpu.memory_space<hbm>> -> memref<1x1x80xi32, #tpu.memory_space<hbm>>
    %dma_wait3A_168 = tpu.memref_squeeze %dma_wait3A_167 : memref<1x1x80xi32, #tpu.memory_space<hbm>> -> memref<80xi32, #tpu.memory_space<hbm>>
    tpu.wait_dma2 semaphore(%arg21 : memref<!tpu.dma_semaphore, #tpu.memory_space<semaphore_mem>>) src(%dma_wait3A_168 : memref<80xi32, #tpu.memory_space<hbm>>) dst(%dma_wait3A_165 : memref<80xi32, #tpu.memory_space<vmem>>)
    %dma_wait3A_169 = arith.constant 2 : i32
    %dma_wait3A_170 = arith.constant 0 : i32
    %dma_wait3A_171 = arith.constant 0 : i32
    %dma_wait3A_172 = tpu.memref_slice %arg17[%dma_wait3A_170, %dma_wait3A_171] : memref<2x80xi32, #tpu.memory_space<vmem>> -> memref<1x80xi32, #tpu.memory_space<vmem>>
    %dma_wait3A_173 = tpu.memref_squeeze %dma_wait3A_172 : memref<1x80xi32, #tpu.memory_space<vmem>> -> memref<80xi32, #tpu.memory_space<vmem>>
    %dma_wait3A_174 = arith.constant 0 : i32
    %dma_wait3A_175 = tpu.memref_slice %arg4[%add3A, %dma_wait3A_169, %dma_wait3A_174] : memref<32x125x80xi32, #tpu.memory_space<hbm>> -> memref<1x1x80xi32, #tpu.memory_space<hbm>>
    %dma_wait3A_176 = tpu.memref_squeeze %dma_wait3A_175 : memref<1x1x80xi32, #tpu.memory_space<hbm>> -> memref<80xi32, #tpu.memory_space<hbm>>
    %dma_wait3A_177 = arith.constant 0 : i32
    %dma_wait3A_178 = tpu.memref_slice %arg17[%dma_wait3A_170, %dma_wait3A_177] : memref<2x80xi32, #tpu.memory_space<vmem>> -> memref<1x80xi32, #tpu.memory_space<vmem>>
    %dma_wait3A_179 = tpu.memref_squeeze %dma_wait3A_178 : memref<1x80xi32, #tpu.memory_space<vmem>> -> memref<80xi32, #tpu.memory_space<vmem>>
    %dma_wait3A_180 = arith.constant 0 : i32
    %dma_wait3A_181 = tpu.memref_slice %arg4[%add3A, %dma_wait3A_169, %dma_wait3A_180] : memref<32x125x80xi32, #tpu.memory_space<hbm>> -> memref<1x1x80xi32, #tpu.memory_space<hbm>>
    %dma_wait3A_182 = tpu.memref_squeeze %dma_wait3A_181 : memref<1x1x80xi32, #tpu.memory_space<hbm>> -> memref<80xi32, #tpu.memory_space<hbm>>
    tpu.wait_dma2 semaphore(%arg21 : memref<!tpu.dma_semaphore, #tpu.memory_space<semaphore_mem>>) src(%dma_wait3A_182 : memref<80xi32, #tpu.memory_space<hbm>>) dst(%dma_wait3A_179 : memref<80xi32, #tpu.memory_space<vmem>>)
    %dma_start3A_183 = arith.constant 0 : i32
    %dma_start3A_184 = arith.constant 0 : i32
    %dma_start3A_185 = tpu.memref_slice %arg13[%dma_start3A_183, %dma_start3A_184] : memref<2x80xi32, #tpu.memory_space<vmem>> -> memref<1x80xi32, #tpu.memory_space<vmem>>
    %dma_start3A_186 = tpu.memref_squeeze %dma_start3A_185 : memref<1x80xi32, #tpu.memory_space<vmem>> -> memref<80xi32, #tpu.memory_space<vmem>>
    %dma_start3A_187 = arith.constant 0 : i32
    %dma_start3A_188 = arith.constant 0 : i32
    %dma_start3A_189 = tpu.memref_slice %arg2[%dma_start3A_187, %dma_start3A_188] : memref<10000x128xf32, #tpu.memory_space<hbm>> -> memref<10000x128xf32, #tpu.memory_space<hbm>>
    tpu.enqueue_indirect_dma source(%dma_start3A_189 : memref<10000x128xf32, #tpu.memory_space<hbm>>) target(%arg9 : memref<80x128xf32, #tpu.memory_space<vmem>>) offsets(%dma_start3A_186 : memref<80xi32, #tpu.memory_space<vmem>>) semaphore(%arg25 : memref<!tpu.dma_semaphore, #tpu.memory_space<semaphore_mem>>)
    %dma_wait3A_190 = arith.constant 3 : i32
    %dma_wait3A_191 = arith.constant 0 : i32
    %dma_wait3A_192 = arith.constant 0 : i32
    %dma_wait3A_193 = tpu.memref_slice %arg14[%dma_wait3A_191, %dma_wait3A_192] : memref<2x80xi32, #tpu.memory_space<vmem>> -> memref<1x80xi32, #tpu.memory_space<vmem>>
    %dma_wait3A_194 = tpu.memref_squeeze %dma_wait3A_193 : memref<1x80xi32, #tpu.memory_space<vmem>> -> memref<80xi32, #tpu.memory_space<vmem>>
    %dma_wait3A_195 = arith.constant 0 : i32
    %dma_wait3A_196 = tpu.memref_slice %arg3[%add3A, %dma_wait3A_190, %dma_wait3A_195] : memref<32x125x80xi32, #tpu.memory_space<hbm>> -> memref<1x1x80xi32, #tpu.memory_space<hbm>>
    %dma_wait3A_197 = tpu.memref_squeeze %dma_wait3A_196 : memref<1x1x80xi32, #tpu.memory_space<hbm>> -> memref<80xi32, #tpu.memory_space<hbm>>
    %dma_wait3A_198 = arith.constant 0 : i32
    %dma_wait3A_199 = tpu.memref_slice %arg14[%dma_wait3A_191, %dma_wait3A_198] : memref<2x80xi32, #tpu.memory_space<vmem>> -> memref<1x80xi32, #tpu.memory_space<vmem>>
    %dma_wait3A_200 = tpu.memref_squeeze %dma_wait3A_199 : memref<1x80xi32, #tpu.memory_space<vmem>> -> memref<80xi32, #tpu.memory_space<vmem>>
    %dma_wait3A_201 = arith.constant 0 : i32
    %dma_wait3A_202 = tpu.memref_slice %arg3[%add3A, %dma_wait3A_190, %dma_wait3A_201] : memref<32x125x80xi32, #tpu.memory_space<hbm>> -> memref<1x1x80xi32, #tpu.memory_space<hbm>>
    %dma_wait3A_203 = tpu.memref_squeeze %dma_wait3A_202 : memref<1x1x80xi32, #tpu.memory_space<hbm>> -> memref<80xi32, #tpu.memory_space<hbm>>
    tpu.wait_dma2 semaphore(%arg22 : memref<!tpu.dma_semaphore, #tpu.memory_space<semaphore_mem>>) src(%dma_wait3A_203 : memref<80xi32, #tpu.memory_space<hbm>>) dst(%dma_wait3A_200 : memref<80xi32, #tpu.memory_space<vmem>>)
    %dma_wait3A_204 = arith.constant 3 : i32
    %dma_wait3A_205 = arith.constant 0 : i32
    %dma_wait3A_206 = arith.constant 0 : i32
    %dma_wait3A_207 = tpu.memref_slice %arg18[%dma_wait3A_205, %dma_wait3A_206] : memref<2x80xi32, #tpu.memory_space<vmem>> -> memref<1x80xi32, #tpu.memory_space<vmem>>
    %dma_wait3A_208 = tpu.memref_squeeze %dma_wait3A_207 : memref<1x80xi32, #tpu.memory_space<vmem>> -> memref<80xi32, #tpu.memory_space<vmem>>
    %dma_wait3A_209 = arith.constant 0 : i32
    %dma_wait3A_210 = tpu.memref_slice %arg4[%add3A, %dma_wait3A_204, %dma_wait3A_209] : memref<32x125x80xi32, #tpu.memory_space<hbm>> -> memref<1x1x80xi32, #tpu.memory_space<hbm>>
    %dma_wait3A_211 = tpu.memref_squeeze %dma_wait3A_210 : memref<1x1x80xi32, #tpu.memory_space<hbm>> -> memref<80xi32, #tpu.memory_space<hbm>>
    %dma_wait3A_212 = arith.constant 0 : i32
    %dma_wait3A_213 = tpu.memref_slice %arg18[%dma_wait3A_205, %dma_wait3A_212] : memref<2x80xi32, #tpu.memory_space<vmem>> -> memref<1x80xi32, #tpu.memory_space<vmem>>
    %dma_wait3A_214 = tpu.memref_squeeze %dma_wait3A_213 : memref<1x80xi32, #tpu.memory_space<vmem>> -> memref<80xi32, #tpu.memory_space<vmem>>
    %dma_wait3A_215 = arith.constant 0 : i32
    %dma_wait3A_216 = tpu.memref_slice %arg4[%add3A, %dma_wait3A_204, %dma_wait3A_215] : memref<32x125x80xi32, #tpu.memory_space<hbm>> -> memref<1x1x80xi32, #tpu.memory_space<hbm>>
    %dma_wait3A_217 = tpu.memref_squeeze %dma_wait3A_216 : memref<1x1x80xi32, #tpu.memory_space<hbm>> -> memref<80xi32, #tpu.memory_space<hbm>>
    tpu.wait_dma2 semaphore(%arg22 : memref<!tpu.dma_semaphore, #tpu.memory_space<semaphore_mem>>) src(%dma_wait3A_217 : memref<80xi32, #tpu.memory_space<hbm>>) dst(%dma_wait3A_214 : memref<80xi32, #tpu.memory_space<vmem>>)
    %dma_start3A_218 = arith.constant 0 : i32
    %dma_start3A_219 = arith.constant 0 : i32
    %dma_start3A_220 = tpu.memref_slice %arg14[%dma_start3A_218, %dma_start3A_219] : memref<2x80xi32, #tpu.memory_space<vmem>> -> memref<1x80xi32, #tpu.memory_space<vmem>>
    %dma_start3A_221 = tpu.memref_squeeze %dma_start3A_220 : memref<1x80xi32, #tpu.memory_space<vmem>> -> memref<80xi32, #tpu.memory_space<vmem>>
    %dma_start3A_222 = arith.constant 0 : i32
    %dma_start3A_223 = arith.constant 0 : i32
    %dma_start3A_224 = tpu.memref_slice %arg2[%dma_start3A_222, %dma_start3A_223] : memref<10000x128xf32, #tpu.memory_space<hbm>> -> memref<10000x128xf32, #tpu.memory_space<hbm>>
    tpu.enqueue_indirect_dma source(%dma_start3A_224 : memref<10000x128xf32, #tpu.memory_space<hbm>>) target(%arg10 : memref<80x128xf32, #tpu.memory_space<vmem>>) offsets(%dma_start3A_221 : memref<80xi32, #tpu.memory_space<vmem>>) semaphore(%arg26 : memref<!tpu.dma_semaphore, #tpu.memory_space<semaphore_mem>>)
    %scan3A_225 = arith.constant 0 : i32
    %scan3A_226 = arith.constant 8 : i32
    %scan3A_227 = arith.addi %scan3A_225, %scan3A_226 : i32
    %scan3A_228 = arith.constant 1 : i32
    scf.for %scan3A_302 = %scan3A_225 to %scan3A_227 step %scan3A_228  : i32 {
      %mul3A_303 = arith.constant 1 : i32
      %mul3A_304 = arith.muli %scan3A_302, %mul3A_303 : i32
      %add3A_305 = arith.constant 0 : i32
      %add3A_306 = arith.addi %add3A_305, %mul3A_304 : i32
      %mul3A_307 = arith.constant 16 : i32
      %mul3A_308 = arith.muli %add3A_306, %mul3A_307 : i32
      %add3A_309 = arith.addi %arg1, %mul3A_308 : i32
      %lt3A = arith.constant 125 : i32
      %lt3A_310 = arith.cmpi slt, %add3A_309, %lt3A : i32
      %convert_element_type3A = arith.extui %lt3A_310 : i1 to i32
      %cond3A = arith.constant 0 : i32
      %cond3A_311 = arith.cmpi ne, %convert_element_type3A, %cond3A : i32
      scf.if %cond3A_311 {
        %mul3A_312 = arith.constant 80 : i32
        %mul3A_313 = arith.muli %add3A_309, %mul3A_312 : i32
        %dma_wait3A_314 = arith.constant 0 : i32
        %dma_wait3A_315 = tpu.memref_slice %arg6[%mul3A_313, %dma_wait3A_314] : memref<10000x128xf32, #tpu.memory_space<vmem_shared>> -> memref<80x128xf32, #tpu.memory_space<vmem_shared>>
        %dma_wait3A_316 = arith.constant 0 : i32
        %dma_wait3A_317 = tpu.memref_slice %arg6[%mul3A_313, %dma_wait3A_316] : memref<10000x128xf32, #tpu.memory_space<vmem_shared>> -> memref<80x128xf32, #tpu.memory_space<vmem_shared>>
        tpu.wait_dma2 semaphore(%arg31 : memref<!tpu.dma_semaphore, #tpu.memory_space<semaphore_mem>>) src(%arg7 : memref<80x128xf32, #tpu.memory_space<vmem>>) dst(%dma_wait3A_317 : memref<80x128xf32, #tpu.memory_space<vmem_shared>>)
      } else {
      }
    }
    %scan3A_229 = arith.constant 8 : i32
    %dma_wait3A_230 = arith.constant 0 : i32
    %dma_wait3A_231 = arith.constant 0 : i32
    %dma_wait3A_232 = arith.constant 0 : i32
    %dma_wait3A_233 = tpu.memref_slice %arg11[%dma_wait3A_231, %dma_wait3A_232] : memref<2x80xi32, #tpu.memory_space<vmem>> -> memref<1x80xi32, #tpu.memory_space<vmem>>
    %dma_wait3A_234 = tpu.memref_squeeze %dma_wait3A_233 : memref<1x80xi32, #tpu.memory_space<vmem>> -> memref<80xi32, #tpu.memory_space<vmem>>
    %dma_wait3A_235 = arith.constant 0 : i32
    %dma_wait3A_236 = tpu.memref_slice %arg3[%add3A, %dma_wait3A_230, %dma_wait3A_235] : memref<32x125x80xi32, #tpu.memory_space<hbm>> -> memref<1x1x80xi32, #tpu.memory_space<hbm>>
    %dma_wait3A_237 = tpu.memref_squeeze %dma_wait3A_236 : memref<1x1x80xi32, #tpu.memory_space<hbm>> -> memref<80xi32, #tpu.memory_space<hbm>>
    %dma_wait3A_238 = arith.constant 0 : i32
    %dma_wait3A_239 = tpu.memref_slice %arg11[%dma_wait3A_231, %dma_wait3A_238] : memref<2x80xi32, #tpu.memory_space<vmem>> -> memref<1x80xi32, #tpu.memory_space<vmem>>
    %dma_wait3A_240 = tpu.memref_squeeze %dma_wait3A_239 : memref<1x80xi32, #tpu.memory_space<vmem>> -> memref<80xi32, #tpu.memory_space<vmem>>
    %dma_wait3A_241 = arith.constant 0 : i32
    %dma_wait3A_242 = tpu.memref_slice %arg3[%add3A, %dma_wait3A_230, %dma_wait3A_241] : memref<32x125x80xi32, #tpu.memory_space<hbm>> -> memref<1x1x80xi32, #tpu.memory_space<hbm>>
    %dma_wait3A_243 = tpu.memref_squeeze %dma_wait3A_242 : memref<1x1x80xi32, #tpu.memory_space<hbm>> -> memref<80xi32, #tpu.memory_space<hbm>>
    tpu.wait_dma2 semaphore(%arg19 : memref<!tpu.dma_semaphore, #tpu.memory_space<semaphore_mem>>) src(%dma_wait3A_243 : memref<80xi32, #tpu.memory_space<hbm>>) dst(%dma_wait3A_240 : memref<80xi32, #tpu.memory_space<vmem>>)
    %dma_wait3A_244 = arith.constant 0 : i32
    %dma_wait3A_245 = arith.constant 0 : i32
    %dma_wait3A_246 = arith.constant 0 : i32
    %dma_wait3A_247 = tpu.memref_slice %arg15[%dma_wait3A_245, %dma_wait3A_246] : memref<2x80xi32, #tpu.memory_space<vmem>> -> memref<1x80xi32, #tpu.memory_space<vmem>>
    %dma_wait3A_248 = tpu.memref_squeeze %dma_wait3A_247 : memref<1x80xi32, #tpu.memory_space<vmem>> -> memref<80xi32, #tpu.memory_space<vmem>>
    %dma_wait3A_249 = arith.constant 0 : i32
    %dma_wait3A_250 = tpu.memref_slice %arg4[%add3A, %dma_wait3A_244, %dma_wait3A_249] : memref<32x125x80xi32, #tpu.memory_space<hbm>> -> memref<1x1x80xi32, #tpu.memory_space<hbm>>
    %dma_wait3A_251 = tpu.memref_squeeze %dma_wait3A_250 : memref<1x1x80xi32, #tpu.memory_space<hbm>> -> memref<80xi32, #tpu.memory_space<hbm>>
    %dma_wait3A_252 = arith.constant 0 : i32
    %dma_wait3A_253 = tpu.memref_slice %arg15[%dma_wait3A_245, %dma_wait3A_252] : memref<2x80xi32, #tpu.memory_space<vmem>> -> memref<1x80xi32, #tpu.memory_space<vmem>>
    %dma_wait3A_254 = tpu.memref_squeeze %dma_wait3A_253 : memref<1x80xi32, #tpu.memory_space<vmem>> -> memref<80xi32, #tpu.memory_space<vmem>>
    %dma_wait3A_255 = arith.constant 0 : i32
    %dma_wait3A_256 = tpu.memref_slice %arg4[%add3A, %dma_wait3A_244, %dma_wait3A_255] : memref<32x125x80xi32, #tpu.memory_space<hbm>> -> memref<1x1x80xi32, #tpu.memory_space<hbm>>
    %dma_wait3A_257 = tpu.memref_squeeze %dma_wait3A_256 : memref<1x1x80xi32, #tpu.memory_space<hbm>> -> memref<80xi32, #tpu.memory_space<hbm>>
    tpu.wait_dma2 semaphore(%arg19 : memref<!tpu.dma_semaphore, #tpu.memory_space<semaphore_mem>>) src(%dma_wait3A_257 : memref<80xi32, #tpu.memory_space<hbm>>) dst(%dma_wait3A_254 : memref<80xi32, #tpu.memory_space<vmem>>)
    %dma_start3A_258 = arith.constant 0 : i32
    %dma_start3A_259 = arith.constant 0 : i32
    %dma_start3A_260 = tpu.memref_slice %arg11[%dma_start3A_258, %dma_start3A_259] : memref<2x80xi32, #tpu.memory_space<vmem>> -> memref<1x80xi32, #tpu.memory_space<vmem>>
    %dma_start3A_261 = tpu.memref_squeeze %dma_start3A_260 : memref<1x80xi32, #tpu.memory_space<vmem>> -> memref<80xi32, #tpu.memory_space<vmem>>
    %dma_start3A_262 = arith.constant 0 : i32
    %dma_start3A_263 = arith.constant 0 : i32
    %dma_start3A_264 = tpu.memref_slice %arg2[%dma_start3A_262, %dma_start3A_263] : memref<10000x128xf32, #tpu.memory_space<hbm>> -> memref<10000x128xf32, #tpu.memory_space<hbm>>
    tpu.enqueue_indirect_dma source(%dma_start3A_264 : memref<10000x128xf32, #tpu.memory_space<hbm>>) target(%arg7 : memref<80x128xf32, #tpu.memory_space<vmem>>) offsets(%dma_start3A_261 : memref<80xi32, #tpu.memory_space<vmem>>) semaphore(%arg23 : memref<!tpu.dma_semaphore, #tpu.memory_space<semaphore_mem>>)
    %barrier3A = arith.constant 0 : index
    tpu.barrier barrier_id(%barrier3A)
    %scan3A_265 = arith.constant 0 : i32
    %scan3A_266 = arith.constant 31 : i32
    %scan3A_267 = arith.addi %scan3A_265, %scan3A_266 : i32
    %scan3A_268 = arith.constant 1 : i32
    scf.for %scan3A_302 = %scan3A_265 to %scan3A_267 step %scan3A_268  : i32 {
      %mul3A_303 = arith.constant 1 : i32
      %mul3A_304 = arith.muli %scan3A_302, %mul3A_303 : i32
      %add3A_305 = arith.constant 0 : i32
      %add3A_306 = arith.addi %add3A_305, %mul3A_304 : i32
      %mul3A_307 = arith.constant 4 : i32
      %mul3A_308 = arith.muli %add3A_306, %mul3A_307 : i32
      %rem3A = arith.constant 2 : i32
      %rem3A_309 = arith.remsi %add3A_306, %rem3A : i32
      %sub3A = arith.constant 1 : i32
      %sub3A_310 = arith.subi %sub3A, %rem3A_309 : i32
      %dma_wait3A_311 = arith.constant 0 : i32
      %dma_wait3A_312 = tpu.memref_slice %arg11[%rem3A_309, %dma_wait3A_311] : memref<2x80xi32, #tpu.memory_space<vmem>> -> memref<1x80xi32, #tpu.memory_space<vmem>>
      %dma_wait3A_313 = tpu.memref_squeeze %dma_wait3A_312 : memref<1x80xi32, #tpu.memory_space<vmem>> -> memref<80xi32, #tpu.memory_space<vmem>>
      %dma_wait3A_314 = arith.constant 0 : i32
      %dma_wait3A_315 = arith.constant 0 : i32
      %dma_wait3A_316 = tpu.memref_slice %arg2[%dma_wait3A_314, %dma_wait3A_315] : memref<10000x128xf32, #tpu.memory_space<hbm>> -> memref<10000x128xf32, #tpu.memory_space<hbm>>
      tpu.wait_indirect_dma semaphore(%arg23 : memref<!tpu.dma_semaphore, #tpu.memory_space<semaphore_mem>>) src(%dma_wait3A_316 : memref<10000x128xf32, #tpu.memory_space<hbm>>) dst(%arg7 : memref<80x128xf32, #tpu.memory_space<vmem>>)
      %dma_start3A_317 = arith.constant 0 : i32
      %dma_start3A_318 = tpu.memref_slice %arg15[%rem3A_309, %dma_start3A_317] : memref<2x80xi32, #tpu.memory_space<vmem>> -> memref<1x80xi32, #tpu.memory_space<vmem>>
      %dma_start3A_319 = tpu.memref_squeeze %dma_start3A_318 : memref<1x80xi32, #tpu.memory_space<vmem>> -> memref<80xi32, #tpu.memory_space<vmem>>
      %dma_start3A_320 = arith.constant 0 : i32
      %dma_start3A_321 = arith.constant 0 : i32
      %dma_start3A_322 = tpu.memref_slice %arg6[%dma_start3A_320, %dma_start3A_321] : memref<10000x128xf32, #tpu.memory_space<vmem_shared>> -> memref<10000x128xf32, #tpu.memory_space<vmem_shared>>
      tpu.enqueue_indirect_dma source(%arg7 : memref<80x128xf32, #tpu.memory_space<vmem>>) target(%dma_start3A_322 : memref<10000x128xf32, #tpu.memory_space<vmem_shared>>) offsets(%dma_start3A_319 : memref<80xi32, #tpu.memory_space<vmem>>) semaphore(%arg27 : memref<!tpu.dma_semaphore, #tpu.memory_space<semaphore_mem>>) {add = true}
      %add3A_323 = arith.constant 0 : i32
      %add3A_324 = arith.addi %mul3A_308, %add3A_323 : i32
      %add3A_325 = arith.constant 4 : i32
      %add3A_326 = arith.addi %add3A_324, %add3A_325 : i32
      %lt3A = arith.constant 125 : i32
      %lt3A_327 = arith.cmpi slt, %add3A_326, %lt3A : i32
      %convert_element_type3A = arith.extui %lt3A_327 : i1 to i32
      %cond3A = arith.constant 0 : i32
      %cond3A_328 = arith.cmpi ne, %convert_element_type3A, %cond3A : i32
      scf.if %cond3A_328 {
        %dma_start3A_452 = arith.constant 0 : i32
        %dma_start3A_453 = tpu.memref_slice %arg11[%sub3A_310, %dma_start3A_452] : memref<2x80xi32, #tpu.memory_space<vmem>> -> memref<1x80xi32, #tpu.memory_space<vmem>>
        %dma_start3A_454 = tpu.memref_squeeze %dma_start3A_453 : memref<1x80xi32, #tpu.memory_space<vmem>> -> memref<80xi32, #tpu.memory_space<vmem>>
        %dma_start3A_455 = arith.constant 0 : i32
        %dma_start3A_456 = tpu.memref_slice %arg3[%add3A, %add3A_326, %dma_start3A_455] : memref<32x125x80xi32, #tpu.memory_space<hbm>> -> memref<1x1x80xi32, #tpu.memory_space<hbm>>
        %dma_start3A_457 = tpu.memref_squeeze %dma_start3A_456 : memref<1x1x80xi32, #tpu.memory_space<hbm>> -> memref<80xi32, #tpu.memory_space<hbm>>
        %dma_start3A_458 = arith.constant 0 : i32
        %dma_start3A_459 = tpu.memref_slice %arg11[%sub3A_310, %dma_start3A_458] : memref<2x80xi32, #tpu.memory_space<vmem>> -> memref<1x80xi32, #tpu.memory_space<vmem>>
        %dma_start3A_460 = tpu.memref_squeeze %dma_start3A_459 : memref<1x80xi32, #tpu.memory_space<vmem>> -> memref<80xi32, #tpu.memory_space<vmem>>
        %dma_start3A_461 = arith.constant 0 : i32
        %dma_start3A_462 = tpu.memref_slice %arg3[%add3A, %add3A_326, %dma_start3A_461] : memref<32x125x80xi32, #tpu.memory_space<hbm>> -> memref<1x1x80xi32, #tpu.memory_space<hbm>>
        %dma_start3A_463 = tpu.memref_squeeze %dma_start3A_462 : memref<1x1x80xi32, #tpu.memory_space<hbm>> -> memref<80xi32, #tpu.memory_space<hbm>>
        tpu.enqueue_dma source(%dma_start3A_463 : memref<80xi32, #tpu.memory_space<hbm>>) target(%dma_start3A_460 : memref<80xi32, #tpu.memory_space<vmem>>) target_semaphore(%arg19 : memref<!tpu.dma_semaphore, #tpu.memory_space<semaphore_mem>>)
        %dma_start3A_464 = arith.constant 0 : i32
        %dma_start3A_465 = tpu.memref_slice %arg15[%sub3A_310, %dma_start3A_464] : memref<2x80xi32, #tpu.memory_space<vmem>> -> memref<1x80xi32, #tpu.memory_space<vmem>>
        %dma_start3A_466 = tpu.memref_squeeze %dma_start3A_465 : memref<1x80xi32, #tpu.memory_space<vmem>> -> memref<80xi32, #tpu.memory_space<vmem>>
        %dma_start3A_467 = arith.constant 0 : i32
        %dma_start3A_468 = tpu.memref_slice %arg4[%add3A, %add3A_326, %dma_start3A_467] : memref<32x125x80xi32, #tpu.memory_space<hbm>> -> memref<1x1x80xi32, #tpu.memory_space<hbm>>
        %dma_start3A_469 = tpu.memref_squeeze %dma_start3A_468 : memref<1x1x80xi32, #tpu.memory_space<hbm>> -> memref<80xi32, #tpu.memory_space<hbm>>
        %dma_start3A_470 = arith.constant 0 : i32
        %dma_start3A_471 = tpu.memref_slice %arg15[%sub3A_310, %dma_start3A_470] : memref<2x80xi32, #tpu.memory_space<vmem>> -> memref<1x80xi32, #tpu.memory_space<vmem>>
        %dma_start3A_472 = tpu.memref_squeeze %dma_start3A_471 : memref<1x80xi32, #tpu.memory_space<vmem>> -> memref<80xi32, #tpu.memory_space<vmem>>
        %dma_start3A_473 = arith.constant 0 : i32
        %dma_start3A_474 = tpu.memref_slice %arg4[%add3A, %add3A_326, %dma_start3A_473] : memref<32x125x80xi32, #tpu.memory_space<hbm>> -> memref<1x1x80xi32, #tpu.memory_space<hbm>>
        %dma_start3A_475 = tpu.memref_squeeze %dma_start3A_474 : memref<1x1x80xi32, #tpu.memory_space<hbm>> -> memref<80xi32, #tpu.memory_space<hbm>>
        tpu.enqueue_dma source(%dma_start3A_475 : memref<80xi32, #tpu.memory_space<hbm>>) target(%dma_start3A_472 : memref<80xi32, #tpu.memory_space<vmem>>) target_semaphore(%arg19 : memref<!tpu.dma_semaphore, #tpu.memory_space<semaphore_mem>>)
      } else {
      }
      %dma_wait3A_329 = arith.constant 0 : i32
      %dma_wait3A_330 = tpu.memref_slice %arg12[%rem3A_309, %dma_wait3A_329] : memref<2x80xi32, #tpu.memory_space<vmem>> -> memref<1x80xi32, #tpu.memory_space<vmem>>
      %dma_wait3A_331 = tpu.memref_squeeze %dma_wait3A_330 : memref<1x80xi32, #tpu.memory_space<vmem>> -> memref<80xi32, #tpu.memory_space<vmem>>
      %dma_wait3A_332 = arith.constant 0 : i32
      %dma_wait3A_333 = arith.constant 0 : i32
      %dma_wait3A_334 = tpu.memref_slice %arg2[%dma_wait3A_332, %dma_wait3A_333] : memref<10000x128xf32, #tpu.memory_space<hbm>> -> memref<10000x128xf32, #tpu.memory_space<hbm>>
      tpu.wait_indirect_dma semaphore(%arg24 : memref<!tpu.dma_semaphore, #tpu.memory_space<semaphore_mem>>) src(%dma_wait3A_334 : memref<10000x128xf32, #tpu.memory_space<hbm>>) dst(%arg8 : memref<80x128xf32, #tpu.memory_space<vmem>>)
      %dma_start3A_335 = arith.constant 0 : i32
      %dma_start3A_336 = tpu.memref_slice %arg16[%rem3A_309, %dma_start3A_335] : memref<2x80xi32, #tpu.memory_space<vmem>> -> memref<1x80xi32, #tpu.memory_space<vmem>>
      %dma_start3A_337 = tpu.memref_squeeze %dma_start3A_336 : memref<1x80xi32, #tpu.memory_space<vmem>> -> memref<80xi32, #tpu.memory_space<vmem>>
      %dma_start3A_338 = arith.constant 0 : i32
      %dma_start3A_339 = arith.constant 0 : i32
      %dma_start3A_340 = tpu.memref_slice %arg6[%dma_start3A_338, %dma_start3A_339] : memref<10000x128xf32, #tpu.memory_space<vmem_shared>> -> memref<10000x128xf32, #tpu.memory_space<vmem_shared>>
      tpu.enqueue_indirect_dma source(%arg8 : memref<80x128xf32, #tpu.memory_space<vmem>>) target(%dma_start3A_340 : memref<10000x128xf32, #tpu.memory_space<vmem_shared>>) offsets(%dma_start3A_337 : memref<80xi32, #tpu.memory_space<vmem>>) semaphore(%arg28 : memref<!tpu.dma_semaphore, #tpu.memory_space<semaphore_mem>>) {add = true}
      %add3A_341 = arith.constant 1 : i32
      %add3A_342 = arith.addi %mul3A_308, %add3A_341 : i32
      %add3A_343 = arith.constant 4 : i32
      %add3A_344 = arith.addi %add3A_342, %add3A_343 : i32
      %lt3A_345 = arith.constant 125 : i32
      %lt3A_346 = arith.cmpi slt, %add3A_344, %lt3A_345 : i32
      %convert_element_type3A_347 = arith.extui %lt3A_346 : i1 to i32
      %cond3A_348 = arith.constant 0 : i32
      %cond3A_349 = arith.cmpi ne, %convert_element_type3A_347, %cond3A_348 : i32
      scf.if %cond3A_349 {
        %dma_start3A_452 = arith.constant 0 : i32
        %dma_start3A_453 = tpu.memref_slice %arg12[%sub3A_310, %dma_start3A_452] : memref<2x80xi32, #tpu.memory_space<vmem>> -> memref<1x80xi32, #tpu.memory_space<vmem>>
        %dma_start3A_454 = tpu.memref_squeeze %dma_start3A_453 : memref<1x80xi32, #tpu.memory_space<vmem>> -> memref<80xi32, #tpu.memory_space<vmem>>
        %dma_start3A_455 = arith.constant 0 : i32
        %dma_start3A_456 = tpu.memref_slice %arg3[%add3A, %add3A_344, %dma_start3A_455] : memref<32x125x80xi32, #tpu.memory_space<hbm>> -> memref<1x1x80xi32, #tpu.memory_space<hbm>>
        %dma_start3A_457 = tpu.memref_squeeze %dma_start3A_456 : memref<1x1x80xi32, #tpu.memory_space<hbm>> -> memref<80xi32, #tpu.memory_space<hbm>>
        %dma_start3A_458 = arith.constant 0 : i32
        %dma_start3A_459 = tpu.memref_slice %arg12[%sub3A_310, %dma_start3A_458] : memref<2x80xi32, #tpu.memory_space<vmem>> -> memref<1x80xi32, #tpu.memory_space<vmem>>
        %dma_start3A_460 = tpu.memref_squeeze %dma_start3A_459 : memref<1x80xi32, #tpu.memory_space<vmem>> -> memref<80xi32, #tpu.memory_space<vmem>>
        %dma_start3A_461 = arith.constant 0 : i32
        %dma_start3A_462 = tpu.memref_slice %arg3[%add3A, %add3A_344, %dma_start3A_461] : memref<32x125x80xi32, #tpu.memory_space<hbm>> -> memref<1x1x80xi32, #tpu.memory_space<hbm>>
        %dma_start3A_463 = tpu.memref_squeeze %dma_start3A_462 : memref<1x1x80xi32, #tpu.memory_space<hbm>> -> memref<80xi32, #tpu.memory_space<hbm>>
        tpu.enqueue_dma source(%dma_start3A_463 : memref<80xi32, #tpu.memory_space<hbm>>) target(%dma_start3A_460 : memref<80xi32, #tpu.memory_space<vmem>>) target_semaphore(%arg20 : memref<!tpu.dma_semaphore, #tpu.memory_space<semaphore_mem>>)
        %dma_start3A_464 = arith.constant 0 : i32
        %dma_start3A_465 = tpu.memref_slice %arg16[%sub3A_310, %dma_start3A_464] : memref<2x80xi32, #tpu.memory_space<vmem>> -> memref<1x80xi32, #tpu.memory_space<vmem>>
        %dma_start3A_466 = tpu.memref_squeeze %dma_start3A_465 : memref<1x80xi32, #tpu.memory_space<vmem>> -> memref<80xi32, #tpu.memory_space<vmem>>
        %dma_start3A_467 = arith.constant 0 : i32
        %dma_start3A_468 = tpu.memref_slice %arg4[%add3A, %add3A_344, %dma_start3A_467] : memref<32x125x80xi32, #tpu.memory_space<hbm>> -> memref<1x1x80xi32, #tpu.memory_space<hbm>>
        %dma_start3A_469 = tpu.memref_squeeze %dma_start3A_468 : memref<1x1x80xi32, #tpu.memory_space<hbm>> -> memref<80xi32, #tpu.memory_space<hbm>>
        %dma_start3A_470 = arith.constant 0 : i32
        %dma_start3A_471 = tpu.memref_slice %arg16[%sub3A_310, %dma_start3A_470] : memref<2x80xi32, #tpu.memory_space<vmem>> -> memref<1x80xi32, #tpu.memory_space<vmem>>
        %dma_start3A_472 = tpu.memref_squeeze %dma_start3A_471 : memref<1x80xi32, #tpu.memory_space<vmem>> -> memref<80xi32, #tpu.memory_space<vmem>>
        %dma_start3A_473 = arith.constant 0 : i32
        %dma_start3A_474 = tpu.memref_slice %arg4[%add3A, %add3A_344, %dma_start3A_473] : memref<32x125x80xi32, #tpu.memory_space<hbm>> -> memref<1x1x80xi32, #tpu.memory_space<hbm>>
        %dma_start3A_475 = tpu.memref_squeeze %dma_start3A_474 : memref<1x1x80xi32, #tpu.memory_space<hbm>> -> memref<80xi32, #tpu.memory_space<hbm>>
        tpu.enqueue_dma source(%dma_start3A_475 : memref<80xi32, #tpu.memory_space<hbm>>) target(%dma_start3A_472 : memref<80xi32, #tpu.memory_space<vmem>>) target_semaphore(%arg20 : memref<!tpu.dma_semaphore, #tpu.memory_space<semaphore_mem>>)
      } else {
      }
      %dma_wait3A_350 = arith.constant 0 : i32
      %dma_wait3A_351 = tpu.memref_slice %arg13[%rem3A_309, %dma_wait3A_350] : memref<2x80xi32, #tpu.memory_space<vmem>> -> memref<1x80xi32, #tpu.memory_space<vmem>>
      %dma_wait3A_352 = tpu.memref_squeeze %dma_wait3A_351 : memref<1x80xi32, #tpu.memory_space<vmem>> -> memref<80xi32, #tpu.memory_space<vmem>>
      %dma_wait3A_353 = arith.constant 0 : i32
      %dma_wait3A_354 = arith.constant 0 : i32
      %dma_wait3A_355 = tpu.memref_slice %arg2[%dma_wait3A_353, %dma_wait3A_354] : memref<10000x128xf32, #tpu.memory_space<hbm>> -> memref<10000x128xf32, #tpu.memory_space<hbm>>
      tpu.wait_indirect_dma semaphore(%arg25 : memref<!tpu.dma_semaphore, #tpu.memory_space<semaphore_mem>>) src(%dma_wait3A_355 : memref<10000x128xf32, #tpu.memory_space<hbm>>) dst(%arg9 : memref<80x128xf32, #tpu.memory_space<vmem>>)
      %dma_start3A_356 = arith.constant 0 : i32
      %dma_start3A_357 = tpu.memref_slice %arg17[%rem3A_309, %dma_start3A_356] : memref<2x80xi32, #tpu.memory_space<vmem>> -> memref<1x80xi32, #tpu.memory_space<vmem>>
      %dma_start3A_358 = tpu.memref_squeeze %dma_start3A_357 : memref<1x80xi32, #tpu.memory_space<vmem>> -> memref<80xi32, #tpu.memory_space<vmem>>
      %dma_start3A_359 = arith.constant 0 : i32
      %dma_start3A_360 = arith.constant 0 : i32
      %dma_start3A_361 = tpu.memref_slice %arg6[%dma_start3A_359, %dma_start3A_360] : memref<10000x128xf32, #tpu.memory_space<vmem_shared>> -> memref<10000x128xf32, #tpu.memory_space<vmem_shared>>
      tpu.enqueue_indirect_dma source(%arg9 : memref<80x128xf32, #tpu.memory_space<vmem>>) target(%dma_start3A_361 : memref<10000x128xf32, #tpu.memory_space<vmem_shared>>) offsets(%dma_start3A_358 : memref<80xi32, #tpu.memory_space<vmem>>) semaphore(%arg29 : memref<!tpu.dma_semaphore, #tpu.memory_space<semaphore_mem>>) {add = true}
      %add3A_362 = arith.constant 2 : i32
      %add3A_363 = arith.addi %mul3A_308, %add3A_362 : i32
      %add3A_364 = arith.constant 4 : i32
      %add3A_365 = arith.addi %add3A_363, %add3A_364 : i32
      %lt3A_366 = arith.constant 125 : i32
      %lt3A_367 = arith.cmpi slt, %add3A_365, %lt3A_366 : i32
      %convert_element_type3A_368 = arith.extui %lt3A_367 : i1 to i32
      %cond3A_369 = arith.constant 0 : i32
      %cond3A_370 = arith.cmpi ne, %convert_element_type3A_368, %cond3A_369 : i32
      scf.if %cond3A_370 {
        %dma_start3A_452 = arith.constant 0 : i32
        %dma_start3A_453 = tpu.memref_slice %arg13[%sub3A_310, %dma_start3A_452] : memref<2x80xi32, #tpu.memory_space<vmem>> -> memref<1x80xi32, #tpu.memory_space<vmem>>
        %dma_start3A_454 = tpu.memref_squeeze %dma_start3A_453 : memref<1x80xi32, #tpu.memory_space<vmem>> -> memref<80xi32, #tpu.memory_space<vmem>>
        %dma_start3A_455 = arith.constant 0 : i32
        %dma_start3A_456 = tpu.memref_slice %arg3[%add3A, %add3A_365, %dma_start3A_455] : memref<32x125x80xi32, #tpu.memory_space<hbm>> -> memref<1x1x80xi32, #tpu.memory_space<hbm>>
        %dma_start3A_457 = tpu.memref_squeeze %dma_start3A_456 : memref<1x1x80xi32, #tpu.memory_space<hbm>> -> memref<80xi32, #tpu.memory_space<hbm>>
        %dma_start3A_458 = arith.constant 0 : i32
        %dma_start3A_459 = tpu.memref_slice %arg13[%sub3A_310, %dma_start3A_458] : memref<2x80xi32, #tpu.memory_space<vmem>> -> memref<1x80xi32, #tpu.memory_space<vmem>>
        %dma_start3A_460 = tpu.memref_squeeze %dma_start3A_459 : memref<1x80xi32, #tpu.memory_space<vmem>> -> memref<80xi32, #tpu.memory_space<vmem>>
        %dma_start3A_461 = arith.constant 0 : i32
        %dma_start3A_462 = tpu.memref_slice %arg3[%add3A, %add3A_365, %dma_start3A_461] : memref<32x125x80xi32, #tpu.memory_space<hbm>> -> memref<1x1x80xi32, #tpu.memory_space<hbm>>
        %dma_start3A_463 = tpu.memref_squeeze %dma_start3A_462 : memref<1x1x80xi32, #tpu.memory_space<hbm>> -> memref<80xi32, #tpu.memory_space<hbm>>
        tpu.enqueue_dma source(%dma_start3A_463 : memref<80xi32, #tpu.memory_space<hbm>>) target(%dma_start3A_460 : memref<80xi32, #tpu.memory_space<vmem>>) target_semaphore(%arg21 : memref<!tpu.dma_semaphore, #tpu.memory_space<semaphore_mem>>)
        %dma_start3A_464 = arith.constant 0 : i32
        %dma_start3A_465 = tpu.memref_slice %arg17[%sub3A_310, %dma_start3A_464] : memref<2x80xi32, #tpu.memory_space<vmem>> -> memref<1x80xi32, #tpu.memory_space<vmem>>
        %dma_start3A_466 = tpu.memref_squeeze %dma_start3A_465 : memref<1x80xi32, #tpu.memory_space<vmem>> -> memref<80xi32, #tpu.memory_space<vmem>>
        %dma_start3A_467 = arith.constant 0 : i32
        %dma_start3A_468 = tpu.memref_slice %arg4[%add3A, %add3A_365, %dma_start3A_467] : memref<32x125x80xi32, #tpu.memory_space<hbm>> -> memref<1x1x80xi32, #tpu.memory_space<hbm>>
        %dma_start3A_469 = tpu.memref_squeeze %dma_start3A_468 : memref<1x1x80xi32, #tpu.memory_space<hbm>> -> memref<80xi32, #tpu.memory_space<hbm>>
        %dma_start3A_470 = arith.constant 0 : i32
        %dma_start3A_471 = tpu.memref_slice %arg17[%sub3A_310, %dma_start3A_470] : memref<2x80xi32, #tpu.memory_space<vmem>> -> memref<1x80xi32, #tpu.memory_space<vmem>>
        %dma_start3A_472 = tpu.memref_squeeze %dma_start3A_471 : memref<1x80xi32, #tpu.memory_space<vmem>> -> memref<80xi32, #tpu.memory_space<vmem>>
        %dma_start3A_473 = arith.constant 0 : i32
        %dma_start3A_474 = tpu.memref_slice %arg4[%add3A, %add3A_365, %dma_start3A_473] : memref<32x125x80xi32, #tpu.memory_space<hbm>> -> memref<1x1x80xi32, #tpu.memory_space<hbm>>
        %dma_start3A_475 = tpu.memref_squeeze %dma_start3A_474 : memref<1x1x80xi32, #tpu.memory_space<hbm>> -> memref<80xi32, #tpu.memory_space<hbm>>
        tpu.enqueue_dma source(%dma_start3A_475 : memref<80xi32, #tpu.memory_space<hbm>>) target(%dma_start3A_472 : memref<80xi32, #tpu.memory_space<vmem>>) target_semaphore(%arg21 : memref<!tpu.dma_semaphore, #tpu.memory_space<semaphore_mem>>)
      } else {
      }
      %dma_wait3A_371 = arith.constant 0 : i32
      %dma_wait3A_372 = tpu.memref_slice %arg14[%rem3A_309, %dma_wait3A_371] : memref<2x80xi32, #tpu.memory_space<vmem>> -> memref<1x80xi32, #tpu.memory_space<vmem>>
      %dma_wait3A_373 = tpu.memref_squeeze %dma_wait3A_372 : memref<1x80xi32, #tpu.memory_space<vmem>> -> memref<80xi32, #tpu.memory_space<vmem>>
      %dma_wait3A_374 = arith.constant 0 : i32
      %dma_wait3A_375 = arith.constant 0 : i32
      %dma_wait3A_376 = tpu.memref_slice %arg2[%dma_wait3A_374, %dma_wait3A_375] : memref<10000x128xf32, #tpu.memory_space<hbm>> -> memref<10000x128xf32, #tpu.memory_space<hbm>>
      tpu.wait_indirect_dma semaphore(%arg26 : memref<!tpu.dma_semaphore, #tpu.memory_space<semaphore_mem>>) src(%dma_wait3A_376 : memref<10000x128xf32, #tpu.memory_space<hbm>>) dst(%arg10 : memref<80x128xf32, #tpu.memory_space<vmem>>)
      %dma_start3A_377 = arith.constant 0 : i32
      %dma_start3A_378 = tpu.memref_slice %arg18[%rem3A_309, %dma_start3A_377] : memref<2x80xi32, #tpu.memory_space<vmem>> -> memref<1x80xi32, #tpu.memory_space<vmem>>
      %dma_start3A_379 = tpu.memref_squeeze %dma_start3A_378 : memref<1x80xi32, #tpu.memory_space<vmem>> -> memref<80xi32, #tpu.memory_space<vmem>>
      %dma_start3A_380 = arith.constant 0 : i32
      %dma_start3A_381 = arith.constant 0 : i32
      %dma_start3A_382 = tpu.memref_slice %arg6[%dma_start3A_380, %dma_start3A_381] : memref<10000x128xf32, #tpu.memory_space<vmem_shared>> -> memref<10000x128xf32, #tpu.memory_space<vmem_shared>>
      tpu.enqueue_indirect_dma source(%arg10 : memref<80x128xf32, #tpu.memory_space<vmem>>) target(%dma_start3A_382 : memref<10000x128xf32, #tpu.memory_space<vmem_shared>>) offsets(%dma_start3A_379 : memref<80xi32, #tpu.memory_space<vmem>>) semaphore(%arg30 : memref<!tpu.dma_semaphore, #tpu.memory_space<semaphore_mem>>) {add = true}
      %add3A_383 = arith.constant 3 : i32
      %add3A_384 = arith.addi %mul3A_308, %add3A_383 : i32
      %add3A_385 = arith.constant 4 : i32
      %add3A_386 = arith.addi %add3A_384, %add3A_385 : i32
      %lt3A_387 = arith.constant 125 : i32
      %lt3A_388 = arith.cmpi slt, %add3A_386, %lt3A_387 : i32
      %convert_element_type3A_389 = arith.extui %lt3A_388 : i1 to i32
      %cond3A_390 = arith.constant 0 : i32
      %cond3A_391 = arith.cmpi ne, %convert_element_type3A_389, %cond3A_390 : i32
      scf.if %cond3A_391 {
        %dma_start3A_452 = arith.constant 0 : i32
        %dma_start3A_453 = tpu.memref_slice %arg14[%sub3A_310, %dma_start3A_452] : memref<2x80xi32, #tpu.memory_space<vmem>> -> memref<1x80xi32, #tpu.memory_space<vmem>>
        %dma_start3A_454 = tpu.memref_squeeze %dma_start3A_453 : memref<1x80xi32, #tpu.memory_space<vmem>> -> memref<80xi32, #tpu.memory_space<vmem>>
        %dma_start3A_455 = arith.constant 0 : i32
        %dma_start3A_456 = tpu.memref_slice %arg3[%add3A, %add3A_386, %dma_start3A_455] : memref<32x125x80xi32, #tpu.memory_space<hbm>> -> memref<1x1x80xi32, #tpu.memory_space<hbm>>
        %dma_start3A_457 = tpu.memref_squeeze %dma_start3A_456 : memref<1x1x80xi32, #tpu.memory_space<hbm>> -> memref<80xi32, #tpu.memory_space<hbm>>
        %dma_start3A_458 = arith.constant 0 : i32
        %dma_start3A_459 = tpu.memref_slice %arg14[%sub3A_310, %dma_start3A_458] : memref<2x80xi32, #tpu.memory_space<vmem>> -> memref<1x80xi32, #tpu.memory_space<vmem>>
        %dma_start3A_460 = tpu.memref_squeeze %dma_start3A_459 : memref<1x80xi32, #tpu.memory_space<vmem>> -> memref<80xi32, #tpu.memory_space<vmem>>
        %dma_start3A_461 = arith.constant 0 : i32
        %dma_start3A_462 = tpu.memref_slice %arg3[%add3A, %add3A_386, %dma_start3A_461] : memref<32x125x80xi32, #tpu.memory_space<hbm>> -> memref<1x1x80xi32, #tpu.memory_space<hbm>>
        %dma_start3A_463 = tpu.memref_squeeze %dma_start3A_462 : memref<1x1x80xi32, #tpu.memory_space<hbm>> -> memref<80xi32, #tpu.memory_space<hbm>>
        tpu.enqueue_dma source(%dma_start3A_463 : memref<80xi32, #tpu.memory_space<hbm>>) target(%dma_start3A_460 : memref<80xi32, #tpu.memory_space<vmem>>) target_semaphore(%arg22 : memref<!tpu.dma_semaphore, #tpu.memory_space<semaphore_mem>>)
        %dma_start3A_464 = arith.constant 0 : i32
        %dma_start3A_465 = tpu.memref_slice %arg18[%sub3A_310, %dma_start3A_464] : memref<2x80xi32, #tpu.memory_space<vmem>> -> memref<1x80xi32, #tpu.memory_space<vmem>>
        %dma_start3A_466 = tpu.memref_squeeze %dma_start3A_465 : memref<1x80xi32, #tpu.memory_space<vmem>> -> memref<80xi32, #tpu.memory_space<vmem>>
        %dma_start3A_467 = arith.constant 0 : i32
        %dma_start3A_468 = tpu.memref_slice %arg4[%add3A, %add3A_386, %dma_start3A_467] : memref<32x125x80xi32, #tpu.memory_space<hbm>> -> memref<1x1x80xi32, #tpu.memory_space<hbm>>
        %dma_start3A_469 = tpu.memref_squeeze %dma_start3A_468 : memref<1x1x80xi32, #tpu.memory_space<hbm>> -> memref<80xi32, #tpu.memory_space<hbm>>
        %dma_start3A_470 = arith.constant 0 : i32
        %dma_start3A_471 = tpu.memref_slice %arg18[%sub3A_310, %dma_start3A_470] : memref<2x80xi32, #tpu.memory_space<vmem>> -> memref<1x80xi32, #tpu.memory_space<vmem>>
        %dma_start3A_472 = tpu.memref_squeeze %dma_start3A_471 : memref<1x80xi32, #tpu.memory_space<vmem>> -> memref<80xi32, #tpu.memory_space<vmem>>
        %dma_start3A_473 = arith.constant 0 : i32
        %dma_start3A_474 = tpu.memref_slice %arg4[%add3A, %add3A_386, %dma_start3A_473] : memref<32x125x80xi32, #tpu.memory_space<hbm>> -> memref<1x1x80xi32, #tpu.memory_space<hbm>>
        %dma_start3A_475 = tpu.memref_squeeze %dma_start3A_474 : memref<1x1x80xi32, #tpu.memory_space<hbm>> -> memref<80xi32, #tpu.memory_space<hbm>>
        tpu.enqueue_dma source(%dma_start3A_475 : memref<80xi32, #tpu.memory_space<hbm>>) target(%dma_start3A_472 : memref<80xi32, #tpu.memory_space<vmem>>) target_semaphore(%arg22 : memref<!tpu.dma_semaphore, #tpu.memory_space<semaphore_mem>>)
      } else {
      }
      %dma_wait3A_392 = arith.constant 0 : i32
      %dma_wait3A_393 = tpu.memref_slice %arg15[%rem3A_309, %dma_wait3A_392] : memref<2x80xi32, #tpu.memory_space<vmem>> -> memref<1x80xi32, #tpu.memory_space<vmem>>
      %dma_wait3A_394 = tpu.memref_squeeze %dma_wait3A_393 : memref<1x80xi32, #tpu.memory_space<vmem>> -> memref<80xi32, #tpu.memory_space<vmem>>
      %dma_wait3A_395 = arith.constant 0 : i32
      %dma_wait3A_396 = arith.constant 0 : i32
      %dma_wait3A_397 = tpu.memref_slice %arg6[%dma_wait3A_395, %dma_wait3A_396] : memref<10000x128xf32, #tpu.memory_space<vmem_shared>> -> memref<10000x128xf32, #tpu.memory_space<vmem_shared>>
      tpu.wait_indirect_dma semaphore(%arg27 : memref<!tpu.dma_semaphore, #tpu.memory_space<semaphore_mem>>) src(%arg7 : memref<80x128xf32, #tpu.memory_space<vmem>>) dst(%dma_wait3A_397 : memref<10000x128xf32, #tpu.memory_space<vmem_shared>>)
      %add3A_398 = arith.constant 0 : i32
      %add3A_399 = arith.addi %mul3A_308, %add3A_398 : i32
      %add3A_400 = arith.constant 4 : i32
      %add3A_401 = arith.addi %add3A_399, %add3A_400 : i32
      %lt3A_402 = arith.constant 125 : i32
      %lt3A_403 = arith.cmpi slt, %add3A_401, %lt3A_402 : i32
      %convert_element_type3A_404 = arith.extui %lt3A_403 : i1 to i32
      %cond3A_405 = arith.constant 0 : i32
      %cond3A_406 = arith.cmpi ne, %convert_element_type3A_404, %cond3A_405 : i32
      scf.if %cond3A_406 {
        %dma_wait3A_452 = arith.constant 0 : i32
        %dma_wait3A_453 = tpu.memref_slice %arg11[%sub3A_310, %dma_wait3A_452] : memref<2x80xi32, #tpu.memory_space<vmem>> -> memref<1x80xi32, #tpu.memory_space<vmem>>
        %dma_wait3A_454 = tpu.memref_squeeze %dma_wait3A_453 : memref<1x80xi32, #tpu.memory_space<vmem>> -> memref<80xi32, #tpu.memory_space<vmem>>
        %dma_wait3A_455 = arith.constant 0 : i32
        %dma_wait3A_456 = tpu.memref_slice %arg3[%add3A, %add3A_401, %dma_wait3A_455] : memref<32x125x80xi32, #tpu.memory_space<hbm>> -> memref<1x1x80xi32, #tpu.memory_space<hbm>>
        %dma_wait3A_457 = tpu.memref_squeeze %dma_wait3A_456 : memref<1x1x80xi32, #tpu.memory_space<hbm>> -> memref<80xi32, #tpu.memory_space<hbm>>
        %dma_wait3A_458 = arith.constant 0 : i32
        %dma_wait3A_459 = tpu.memref_slice %arg11[%sub3A_310, %dma_wait3A_458] : memref<2x80xi32, #tpu.memory_space<vmem>> -> memref<1x80xi32, #tpu.memory_space<vmem>>
        %dma_wait3A_460 = tpu.memref_squeeze %dma_wait3A_459 : memref<1x80xi32, #tpu.memory_space<vmem>> -> memref<80xi32, #tpu.memory_space<vmem>>
        %dma_wait3A_461 = arith.constant 0 : i32
        %dma_wait3A_462 = tpu.memref_slice %arg3[%add3A, %add3A_401, %dma_wait3A_461] : memref<32x125x80xi32, #tpu.memory_space<hbm>> -> memref<1x1x80xi32, #tpu.memory_space<hbm>>
        %dma_wait3A_463 = tpu.memref_squeeze %dma_wait3A_462 : memref<1x1x80xi32, #tpu.memory_space<hbm>> -> memref<80xi32, #tpu.memory_space<hbm>>
        tpu.wait_dma2 semaphore(%arg19 : memref<!tpu.dma_semaphore, #tpu.memory_space<semaphore_mem>>) src(%dma_wait3A_463 : memref<80xi32, #tpu.memory_space<hbm>>) dst(%dma_wait3A_460 : memref<80xi32, #tpu.memory_space<vmem>>)
        %dma_wait3A_464 = arith.constant 0 : i32
        %dma_wait3A_465 = tpu.memref_slice %arg15[%sub3A_310, %dma_wait3A_464] : memref<2x80xi32, #tpu.memory_space<vmem>> -> memref<1x80xi32, #tpu.memory_space<vmem>>
        %dma_wait3A_466 = tpu.memref_squeeze %dma_wait3A_465 : memref<1x80xi32, #tpu.memory_space<vmem>> -> memref<80xi32, #tpu.memory_space<vmem>>
        %dma_wait3A_467 = arith.constant 0 : i32
        %dma_wait3A_468 = tpu.memref_slice %arg4[%add3A, %add3A_401, %dma_wait3A_467] : memref<32x125x80xi32, #tpu.memory_space<hbm>> -> memref<1x1x80xi32, #tpu.memory_space<hbm>>
        %dma_wait3A_469 = tpu.memref_squeeze %dma_wait3A_468 : memref<1x1x80xi32, #tpu.memory_space<hbm>> -> memref<80xi32, #tpu.memory_space<hbm>>
        %dma_wait3A_470 = arith.constant 0 : i32
        %dma_wait3A_471 = tpu.memref_slice %arg15[%sub3A_310, %dma_wait3A_470] : memref<2x80xi32, #tpu.memory_space<vmem>> -> memref<1x80xi32, #tpu.memory_space<vmem>>
        %dma_wait3A_472 = tpu.memref_squeeze %dma_wait3A_471 : memref<1x80xi32, #tpu.memory_space<vmem>> -> memref<80xi32, #tpu.memory_space<vmem>>
        %dma_wait3A_473 = arith.constant 0 : i32
        %dma_wait3A_474 = tpu.memref_slice %arg4[%add3A, %add3A_401, %dma_wait3A_473] : memref<32x125x80xi32, #tpu.memory_space<hbm>> -> memref<1x1x80xi32, #tpu.memory_space<hbm>>
        %dma_wait3A_475 = tpu.memref_squeeze %dma_wait3A_474 : memref<1x1x80xi32, #tpu.memory_space<hbm>> -> memref<80xi32, #tpu.memory_space<hbm>>
        tpu.wait_dma2 semaphore(%arg19 : memref<!tpu.dma_semaphore, #tpu.memory_space<semaphore_mem>>) src(%dma_wait3A_475 : memref<80xi32, #tpu.memory_space<hbm>>) dst(%dma_wait3A_472 : memref<80xi32, #tpu.memory_space<vmem>>)
        %dma_start3A_476 = arith.constant 0 : i32
        %dma_start3A_477 = tpu.memref_slice %arg11[%sub3A_310, %dma_start3A_476] : memref<2x80xi32, #tpu.memory_space<vmem>> -> memref<1x80xi32, #tpu.memory_space<vmem>>
        %dma_start3A_478 = tpu.memref_squeeze %dma_start3A_477 : memref<1x80xi32, #tpu.memory_space<vmem>> -> memref<80xi32, #tpu.memory_space<vmem>>
        %dma_start3A_479 = arith.constant 0 : i32
        %dma_start3A_480 = arith.constant 0 : i32
        %dma_start3A_481 = tpu.memref_slice %arg2[%dma_start3A_479, %dma_start3A_480] : memref<10000x128xf32, #tpu.memory_space<hbm>> -> memref<10000x128xf32, #tpu.memory_space<hbm>>
        tpu.enqueue_indirect_dma source(%dma_start3A_481 : memref<10000x128xf32, #tpu.memory_space<hbm>>) target(%arg7 : memref<80x128xf32, #tpu.memory_space<vmem>>) offsets(%dma_start3A_478 : memref<80xi32, #tpu.memory_space<vmem>>) semaphore(%arg23 : memref<!tpu.dma_semaphore, #tpu.memory_space<semaphore_mem>>)
      } else {
      }
      %dma_wait3A_407 = arith.constant 0 : i32
      %dma_wait3A_408 = tpu.memref_slice %arg16[%rem3A_309, %dma_wait3A_407] : memref<2x80xi32, #tpu.memory_space<vmem>> -> memref<1x80xi32, #tpu.memory_space<vmem>>
      %dma_wait3A_409 = tpu.memref_squeeze %dma_wait3A_408 : memref<1x80xi32, #tpu.memory_space<vmem>> -> memref<80xi32, #tpu.memory_space<vmem>>
      %dma_wait3A_410 = arith.constant 0 : i32
      %dma_wait3A_411 = arith.constant 0 : i32
      %dma_wait3A_412 = tpu.memref_slice %arg6[%dma_wait3A_410, %dma_wait3A_411] : memref<10000x128xf32, #tpu.memory_space<vmem_shared>> -> memref<10000x128xf32, #tpu.memory_space<vmem_shared>>
      tpu.wait_indirect_dma semaphore(%arg28 : memref<!tpu.dma_semaphore, #tpu.memory_space<semaphore_mem>>) src(%arg8 : memref<80x128xf32, #tpu.memory_space<vmem>>) dst(%dma_wait3A_412 : memref<10000x128xf32, #tpu.memory_space<vmem_shared>>)
      %add3A_413 = arith.constant 1 : i32
      %add3A_414 = arith.addi %mul3A_308, %add3A_413 : i32
      %add3A_415 = arith.constant 4 : i32
      %add3A_416 = arith.addi %add3A_414, %add3A_415 : i32
      %lt3A_417 = arith.constant 125 : i32
      %lt3A_418 = arith.cmpi slt, %add3A_416, %lt3A_417 : i32
      %convert_element_type3A_419 = arith.extui %lt3A_418 : i1 to i32
      %cond3A_420 = arith.constant 0 : i32
      %cond3A_421 = arith.cmpi ne, %convert_element_type3A_419, %cond3A_420 : i32
      scf.if %cond3A_421 {
        %dma_wait3A_452 = arith.constant 0 : i32
        %dma_wait3A_453 = tpu.memref_slice %arg12[%sub3A_310, %dma_wait3A_452] : memref<2x80xi32, #tpu.memory_space<vmem>> -> memref<1x80xi32, #tpu.memory_space<vmem>>
        %dma_wait3A_454 = tpu.memref_squeeze %dma_wait3A_453 : memref<1x80xi32, #tpu.memory_space<vmem>> -> memref<80xi32, #tpu.memory_space<vmem>>
        %dma_wait3A_455 = arith.constant 0 : i32
        %dma_wait3A_456 = tpu.memref_slice %arg3[%add3A, %add3A_416, %dma_wait3A_455] : memref<32x125x80xi32, #tpu.memory_space<hbm>> -> memref<1x1x80xi32, #tpu.memory_space<hbm>>
        %dma_wait3A_457 = tpu.memref_squeeze %dma_wait3A_456 : memref<1x1x80xi32, #tpu.memory_space<hbm>> -> memref<80xi32, #tpu.memory_space<hbm>>
        %dma_wait3A_458 = arith.constant 0 : i32
        %dma_wait3A_459 = tpu.memref_slice %arg12[%sub3A_310, %dma_wait3A_458] : memref<2x80xi32, #tpu.memory_space<vmem>> -> memref<1x80xi32, #tpu.memory_space<vmem>>
        %dma_wait3A_460 = tpu.memref_squeeze %dma_wait3A_459 : memref<1x80xi32, #tpu.memory_space<vmem>> -> memref<80xi32, #tpu.memory_space<vmem>>
        %dma_wait3A_461 = arith.constant 0 : i32
        %dma_wait3A_462 = tpu.memref_slice %arg3[%add3A, %add3A_416, %dma_wait3A_461] : memref<32x125x80xi32, #tpu.memory_space<hbm>> -> memref<1x1x80xi32, #tpu.memory_space<hbm>>
        %dma_wait3A_463 = tpu.memref_squeeze %dma_wait3A_462 : memref<1x1x80xi32, #tpu.memory_space<hbm>> -> memref<80xi32, #tpu.memory_space<hbm>>
        tpu.wait_dma2 semaphore(%arg20 : memref<!tpu.dma_semaphore, #tpu.memory_space<semaphore_mem>>) src(%dma_wait3A_463 : memref<80xi32, #tpu.memory_space<hbm>>) dst(%dma_wait3A_460 : memref<80xi32, #tpu.memory_space<vmem>>)
        %dma_wait3A_464 = arith.constant 0 : i32
        %dma_wait3A_465 = tpu.memref_slice %arg16[%sub3A_310, %dma_wait3A_464] : memref<2x80xi32, #tpu.memory_space<vmem>> -> memref<1x80xi32, #tpu.memory_space<vmem>>
        %dma_wait3A_466 = tpu.memref_squeeze %dma_wait3A_465 : memref<1x80xi32, #tpu.memory_space<vmem>> -> memref<80xi32, #tpu.memory_space<vmem>>
        %dma_wait3A_467 = arith.constant 0 : i32
        %dma_wait3A_468 = tpu.memref_slice %arg4[%add3A, %add3A_416, %dma_wait3A_467] : memref<32x125x80xi32, #tpu.memory_space<hbm>> -> memref<1x1x80xi32, #tpu.memory_space<hbm>>
        %dma_wait3A_469 = tpu.memref_squeeze %dma_wait3A_468 : memref<1x1x80xi32, #tpu.memory_space<hbm>> -> memref<80xi32, #tpu.memory_space<hbm>>
        %dma_wait3A_470 = arith.constant 0 : i32
        %dma_wait3A_471 = tpu.memref_slice %arg16[%sub3A_310, %dma_wait3A_470] : memref<2x80xi32, #tpu.memory_space<vmem>> -> memref<1x80xi32, #tpu.memory_space<vmem>>
        %dma_wait3A_472 = tpu.memref_squeeze %dma_wait3A_471 : memref<1x80xi32, #tpu.memory_space<vmem>> -> memref<80xi32, #tpu.memory_space<vmem>>
        %dma_wait3A_473 = arith.constant 0 : i32
        %dma_wait3A_474 = tpu.memref_slice %arg4[%add3A, %add3A_416, %dma_wait3A_473] : memref<32x125x80xi32, #tpu.memory_space<hbm>> -> memref<1x1x80xi32, #tpu.memory_space<hbm>>
        %dma_wait3A_475 = tpu.memref_squeeze %dma_wait3A_474 : memref<1x1x80xi32, #tpu.memory_space<hbm>> -> memref<80xi32, #tpu.memory_space<hbm>>
        tpu.wait_dma2 semaphore(%arg20 : memref<!tpu.dma_semaphore, #tpu.memory_space<semaphore_mem>>) src(%dma_wait3A_475 : memref<80xi32, #tpu.memory_space<hbm>>) dst(%dma_wait3A_472 : memref<80xi32, #tpu.memory_space<vmem>>)
        %dma_start3A_476 = arith.constant 0 : i32
        %dma_start3A_477 = tpu.memref_slice %arg12[%sub3A_310, %dma_start3A_476] : memref<2x80xi32, #tpu.memory_space<vmem>> -> memref<1x80xi32, #tpu.memory_space<vmem>>
        %dma_start3A_478 = tpu.memref_squeeze %dma_start3A_477 : memref<1x80xi32, #tpu.memory_space<vmem>> -> memref<80xi32, #tpu.memory_space<vmem>>
        %dma_start3A_479 = arith.constant 0 : i32
        %dma_start3A_480 = arith.constant 0 : i32
        %dma_start3A_481 = tpu.memref_slice %arg2[%dma_start3A_479, %dma_start3A_480] : memref<10000x128xf32, #tpu.memory_space<hbm>> -> memref<10000x128xf32, #tpu.memory_space<hbm>>
        tpu.enqueue_indirect_dma source(%dma_start3A_481 : memref<10000x128xf32, #tpu.memory_space<hbm>>) target(%arg8 : memref<80x128xf32, #tpu.memory_space<vmem>>) offsets(%dma_start3A_478 : memref<80xi32, #tpu.memory_space<vmem>>) semaphore(%arg24 : memref<!tpu.dma_semaphore, #tpu.memory_space<semaphore_mem>>)
      } else {
      }
      %dma_wait3A_422 = arith.constant 0 : i32
      %dma_wait3A_423 = tpu.memref_slice %arg17[%rem3A_309, %dma_wait3A_422] : memref<2x80xi32, #tpu.memory_space<vmem>> -> memref<1x80xi32, #tpu.memory_space<vmem>>
      %dma_wait3A_424 = tpu.memref_squeeze %dma_wait3A_423 : memref<1x80xi32, #tpu.memory_space<vmem>> -> memref<80xi32, #tpu.memory_space<vmem>>
      %dma_wait3A_425 = arith.constant 0 : i32
      %dma_wait3A_426 = arith.constant 0 : i32
      %dma_wait3A_427 = tpu.memref_slice %arg6[%dma_wait3A_425, %dma_wait3A_426] : memref<10000x128xf32, #tpu.memory_space<vmem_shared>> -> memref<10000x128xf32, #tpu.memory_space<vmem_shared>>
      tpu.wait_indirect_dma semaphore(%arg29 : memref<!tpu.dma_semaphore, #tpu.memory_space<semaphore_mem>>) src(%arg9 : memref<80x128xf32, #tpu.memory_space<vmem>>) dst(%dma_wait3A_427 : memref<10000x128xf32, #tpu.memory_space<vmem_shared>>)
      %add3A_428 = arith.constant 2 : i32
      %add3A_429 = arith.addi %mul3A_308, %add3A_428 : i32
      %add3A_430 = arith.constant 4 : i32
      %add3A_431 = arith.addi %add3A_429, %add3A_430 : i32
      %lt3A_432 = arith.constant 125 : i32
      %lt3A_433 = arith.cmpi slt, %add3A_431, %lt3A_432 : i32
      %convert_element_type3A_434 = arith.extui %lt3A_433 : i1 to i32
      %cond3A_435 = arith.constant 0 : i32
      %cond3A_436 = arith.cmpi ne, %convert_element_type3A_434, %cond3A_435 : i32
      scf.if %cond3A_436 {
        %dma_wait3A_452 = arith.constant 0 : i32
        %dma_wait3A_453 = tpu.memref_slice %arg13[%sub3A_310, %dma_wait3A_452] : memref<2x80xi32, #tpu.memory_space<vmem>> -> memref<1x80xi32, #tpu.memory_space<vmem>>
        %dma_wait3A_454 = tpu.memref_squeeze %dma_wait3A_453 : memref<1x80xi32, #tpu.memory_space<vmem>> -> memref<80xi32, #tpu.memory_space<vmem>>
        %dma_wait3A_455 = arith.constant 0 : i32
        %dma_wait3A_456 = tpu.memref_slice %arg3[%add3A, %add3A_431, %dma_wait3A_455] : memref<32x125x80xi32, #tpu.memory_space<hbm>> -> memref<1x1x80xi32, #tpu.memory_space<hbm>>
        %dma_wait3A_457 = tpu.memref_squeeze %dma_wait3A_456 : memref<1x1x80xi32, #tpu.memory_space<hbm>> -> memref<80xi32, #tpu.memory_space<hbm>>
        %dma_wait3A_458 = arith.constant 0 : i32
        %dma_wait3A_459 = tpu.memref_slice %arg13[%sub3A_310, %dma_wait3A_458] : memref<2x80xi32, #tpu.memory_space<vmem>> -> memref<1x80xi32, #tpu.memory_space<vmem>>
        %dma_wait3A_460 = tpu.memref_squeeze %dma_wait3A_459 : memref<1x80xi32, #tpu.memory_space<vmem>> -> memref<80xi32, #tpu.memory_space<vmem>>
        %dma_wait3A_461 = arith.constant 0 : i32
        %dma_wait3A_462 = tpu.memref_slice %arg3[%add3A, %add3A_431, %dma_wait3A_461] : memref<32x125x80xi32, #tpu.memory_space<hbm>> -> memref<1x1x80xi32, #tpu.memory_space<hbm>>
        %dma_wait3A_463 = tpu.memref_squeeze %dma_wait3A_462 : memref<1x1x80xi32, #tpu.memory_space<hbm>> -> memref<80xi32, #tpu.memory_space<hbm>>
        tpu.wait_dma2 semaphore(%arg21 : memref<!tpu.dma_semaphore, #tpu.memory_space<semaphore_mem>>) src(%dma_wait3A_463 : memref<80xi32, #tpu.memory_space<hbm>>) dst(%dma_wait3A_460 : memref<80xi32, #tpu.memory_space<vmem>>)
        %dma_wait3A_464 = arith.constant 0 : i32
        %dma_wait3A_465 = tpu.memref_slice %arg17[%sub3A_310, %dma_wait3A_464] : memref<2x80xi32, #tpu.memory_space<vmem>> -> memref<1x80xi32, #tpu.memory_space<vmem>>
        %dma_wait3A_466 = tpu.memref_squeeze %dma_wait3A_465 : memref<1x80xi32, #tpu.memory_space<vmem>> -> memref<80xi32, #tpu.memory_space<vmem>>
        %dma_wait3A_467 = arith.constant 0 : i32
        %dma_wait3A_468 = tpu.memref_slice %arg4[%add3A, %add3A_431, %dma_wait3A_467] : memref<32x125x80xi32, #tpu.memory_space<hbm>> -> memref<1x1x80xi32, #tpu.memory_space<hbm>>
        %dma_wait3A_469 = tpu.memref_squeeze %dma_wait3A_468 : memref<1x1x80xi32, #tpu.memory_space<hbm>> -> memref<80xi32, #tpu.memory_space<hbm>>
        %dma_wait3A_470 = arith.constant 0 : i32
        %dma_wait3A_471 = tpu.memref_slice %arg17[%sub3A_310, %dma_wait3A_470] : memref<2x80xi32, #tpu.memory_space<vmem>> -> memref<1x80xi32, #tpu.memory_space<vmem>>
        %dma_wait3A_472 = tpu.memref_squeeze %dma_wait3A_471 : memref<1x80xi32, #tpu.memory_space<vmem>> -> memref<80xi32, #tpu.memory_space<vmem>>
        %dma_wait3A_473 = arith.constant 0 : i32
        %dma_wait3A_474 = tpu.memref_slice %arg4[%add3A, %add3A_431, %dma_wait3A_473] : memref<32x125x80xi32, #tpu.memory_space<hbm>> -> memref<1x1x80xi32, #tpu.memory_space<hbm>>
        %dma_wait3A_475 = tpu.memref_squeeze %dma_wait3A_474 : memref<1x1x80xi32, #tpu.memory_space<hbm>> -> memref<80xi32, #tpu.memory_space<hbm>>
        tpu.wait_dma2 semaphore(%arg21 : memref<!tpu.dma_semaphore, #tpu.memory_space<semaphore_mem>>) src(%dma_wait3A_475 : memref<80xi32, #tpu.memory_space<hbm>>) dst(%dma_wait3A_472 : memref<80xi32, #tpu.memory_space<vmem>>)
        %dma_start3A_476 = arith.constant 0 : i32
        %dma_start3A_477 = tpu.memref_slice %arg13[%sub3A_310, %dma_start3A_476] : memref<2x80xi32, #tpu.memory_space<vmem>> -> memref<1x80xi32, #tpu.memory_space<vmem>>
        %dma_start3A_478 = tpu.memref_squeeze %dma_start3A_477 : memref<1x80xi32, #tpu.memory_space<vmem>> -> memref<80xi32, #tpu.memory_space<vmem>>
        %dma_start3A_479 = arith.constant 0 : i32
        %dma_start3A_480 = arith.constant 0 : i32
        %dma_start3A_481 = tpu.memref_slice %arg2[%dma_start3A_479, %dma_start3A_480] : memref<10000x128xf32, #tpu.memory_space<hbm>> -> memref<10000x128xf32, #tpu.memory_space<hbm>>
        tpu.enqueue_indirect_dma source(%dma_start3A_481 : memref<10000x128xf32, #tpu.memory_space<hbm>>) target(%arg9 : memref<80x128xf32, #tpu.memory_space<vmem>>) offsets(%dma_start3A_478 : memref<80xi32, #tpu.memory_space<vmem>>) semaphore(%arg25 : memref<!tpu.dma_semaphore, #tpu.memory_space<semaphore_mem>>)
      } else {
      }
      %dma_wait3A_437 = arith.constant 0 : i32
      %dma_wait3A_438 = tpu.memref_slice %arg18[%rem3A_309, %dma_wait3A_437] : memref<2x80xi32, #tpu.memory_space<vmem>> -> memref<1x80xi32, #tpu.memory_space<vmem>>
      %dma_wait3A_439 = tpu.memref_squeeze %dma_wait3A_438 : memref<1x80xi32, #tpu.memory_space<vmem>> -> memref<80xi32, #tpu.memory_space<vmem>>
      %dma_wait3A_440 = arith.constant 0 : i32
      %dma_wait3A_441 = arith.constant 0 : i32
      %dma_wait3A_442 = tpu.memref_slice %arg6[%dma_wait3A_440, %dma_wait3A_441] : memref<10000x128xf32, #tpu.memory_space<vmem_shared>> -> memref<10000x128xf32, #tpu.memory_space<vmem_shared>>
      tpu.wait_indirect_dma semaphore(%arg30 : memref<!tpu.dma_semaphore, #tpu.memory_space<semaphore_mem>>) src(%arg10 : memref<80x128xf32, #tpu.memory_space<vmem>>) dst(%dma_wait3A_442 : memref<10000x128xf32, #tpu.memory_space<vmem_shared>>)
      %add3A_443 = arith.constant 3 : i32
      %add3A_444 = arith.addi %mul3A_308, %add3A_443 : i32
      %add3A_445 = arith.constant 4 : i32
      %add3A_446 = arith.addi %add3A_444, %add3A_445 : i32
      %lt3A_447 = arith.constant 125 : i32
      %lt3A_448 = arith.cmpi slt, %add3A_446, %lt3A_447 : i32
      %convert_element_type3A_449 = arith.extui %lt3A_448 : i1 to i32
      %cond3A_450 = arith.constant 0 : i32
      %cond3A_451 = arith.cmpi ne, %convert_element_type3A_449, %cond3A_450 : i32
      scf.if %cond3A_451 {
        %dma_wait3A_452 = arith.constant 0 : i32
        %dma_wait3A_453 = tpu.memref_slice %arg14[%sub3A_310, %dma_wait3A_452] : memref<2x80xi32, #tpu.memory_space<vmem>> -> memref<1x80xi32, #tpu.memory_space<vmem>>
        %dma_wait3A_454 = tpu.memref_squeeze %dma_wait3A_453 : memref<1x80xi32, #tpu.memory_space<vmem>> -> memref<80xi32, #tpu.memory_space<vmem>>
        %dma_wait3A_455 = arith.constant 0 : i32
        %dma_wait3A_456 = tpu.memref_slice %arg3[%add3A, %add3A_446, %dma_wait3A_455] : memref<32x125x80xi32, #tpu.memory_space<hbm>> -> memref<1x1x80xi32, #tpu.memory_space<hbm>>
        %dma_wait3A_457 = tpu.memref_squeeze %dma_wait3A_456 : memref<1x1x80xi32, #tpu.memory_space<hbm>> -> memref<80xi32, #tpu.memory_space<hbm>>
        %dma_wait3A_458 = arith.constant 0 : i32
        %dma_wait3A_459 = tpu.memref_slice %arg14[%sub3A_310, %dma_wait3A_458] : memref<2x80xi32, #tpu.memory_space<vmem>> -> memref<1x80xi32, #tpu.memory_space<vmem>>
        %dma_wait3A_460 = tpu.memref_squeeze %dma_wait3A_459 : memref<1x80xi32, #tpu.memory_space<vmem>> -> memref<80xi32, #tpu.memory_space<vmem>>
        %dma_wait3A_461 = arith.constant 0 : i32
        %dma_wait3A_462 = tpu.memref_slice %arg3[%add3A, %add3A_446, %dma_wait3A_461] : memref<32x125x80xi32, #tpu.memory_space<hbm>> -> memref<1x1x80xi32, #tpu.memory_space<hbm>>
        %dma_wait3A_463 = tpu.memref_squeeze %dma_wait3A_462 : memref<1x1x80xi32, #tpu.memory_space<hbm>> -> memref<80xi32, #tpu.memory_space<hbm>>
        tpu.wait_dma2 semaphore(%arg22 : memref<!tpu.dma_semaphore, #tpu.memory_space<semaphore_mem>>) src(%dma_wait3A_463 : memref<80xi32, #tpu.memory_space<hbm>>) dst(%dma_wait3A_460 : memref<80xi32, #tpu.memory_space<vmem>>)
        %dma_wait3A_464 = arith.constant 0 : i32
        %dma_wait3A_465 = tpu.memref_slice %arg18[%sub3A_310, %dma_wait3A_464] : memref<2x80xi32, #tpu.memory_space<vmem>> -> memref<1x80xi32, #tpu.memory_space<vmem>>
        %dma_wait3A_466 = tpu.memref_squeeze %dma_wait3A_465 : memref<1x80xi32, #tpu.memory_space<vmem>> -> memref<80xi32, #tpu.memory_space<vmem>>
        %dma_wait3A_467 = arith.constant 0 : i32
        %dma_wait3A_468 = tpu.memref_slice %arg4[%add3A, %add3A_446, %dma_wait3A_467] : memref<32x125x80xi32, #tpu.memory_space<hbm>> -> memref<1x1x80xi32, #tpu.memory_space<hbm>>
        %dma_wait3A_469 = tpu.memref_squeeze %dma_wait3A_468 : memref<1x1x80xi32, #tpu.memory_space<hbm>> -> memref<80xi32, #tpu.memory_space<hbm>>
        %dma_wait3A_470 = arith.constant 0 : i32
        %dma_wait3A_471 = tpu.memref_slice %arg18[%sub3A_310, %dma_wait3A_470] : memref<2x80xi32, #tpu.memory_space<vmem>> -> memref<1x80xi32, #tpu.memory_space<vmem>>
        %dma_wait3A_472 = tpu.memref_squeeze %dma_wait3A_471 : memref<1x80xi32, #tpu.memory_space<vmem>> -> memref<80xi32, #tpu.memory_space<vmem>>
        %dma_wait3A_473 = arith.constant 0 : i32
        %dma_wait3A_474 = tpu.memref_slice %arg4[%add3A, %add3A_446, %dma_wait3A_473] : memref<32x125x80xi32, #tpu.memory_space<hbm>> -> memref<1x1x80xi32, #tpu.memory_space<hbm>>
        %dma_wait3A_475 = tpu.memref_squeeze %dma_wait3A_474 : memref<1x1x80xi32, #tpu.memory_space<hbm>> -> memref<80xi32, #tpu.memory_space<hbm>>
        tpu.wait_dma2 semaphore(%arg22 : memref<!tpu.dma_semaphore, #tpu.memory_space<semaphore_mem>>) src(%dma_wait3A_475 : memref<80xi32, #tpu.memory_space<hbm>>) dst(%dma_wait3A_472 : memref<80xi32, #tpu.memory_space<vmem>>)
        %dma_start3A_476 = arith.constant 0 : i32
        %dma_start3A_477 = tpu.memref_slice %arg14[%sub3A_310, %dma_start3A_476] : memref<2x80xi32, #tpu.memory_space<vmem>> -> memref<1x80xi32, #tpu.memory_space<vmem>>
        %dma_start3A_478 = tpu.memref_squeeze %dma_start3A_477 : memref<1x80xi32, #tpu.memory_space<vmem>> -> memref<80xi32, #tpu.memory_space<vmem>>
        %dma_start3A_479 = arith.constant 0 : i32
        %dma_start3A_480 = arith.constant 0 : i32
        %dma_start3A_481 = tpu.memref_slice %arg2[%dma_start3A_479, %dma_start3A_480] : memref<10000x128xf32, #tpu.memory_space<hbm>> -> memref<10000x128xf32, #tpu.memory_space<hbm>>
        tpu.enqueue_indirect_dma source(%dma_start3A_481 : memref<10000x128xf32, #tpu.memory_space<hbm>>) target(%arg10 : memref<80x128xf32, #tpu.memory_space<vmem>>) offsets(%dma_start3A_478 : memref<80xi32, #tpu.memory_space<vmem>>) semaphore(%arg26 : memref<!tpu.dma_semaphore, #tpu.memory_space<semaphore_mem>>)
      } else {
      }
    }
    %scan3A_269 = arith.constant 31 : i32
    %dma_wait3A_270 = arith.constant 1 : i32
    %dma_wait3A_271 = arith.constant 0 : i32
    %dma_wait3A_272 = tpu.memref_slice %arg11[%dma_wait3A_270, %dma_wait3A_271] : memref<2x80xi32, #tpu.memory_space<vmem>> -> memref<1x80xi32, #tpu.memory_space<vmem>>
    %dma_wait3A_273 = tpu.memref_squeeze %dma_wait3A_272 : memref<1x80xi32, #tpu.memory_space<vmem>> -> memref<80xi32, #tpu.memory_space<vmem>>
    %dma_wait3A_274 = arith.constant 0 : i32
    %dma_wait3A_275 = arith.constant 0 : i32
    %dma_wait3A_276 = tpu.memref_slice %arg2[%dma_wait3A_274, %dma_wait3A_275] : memref<10000x128xf32, #tpu.memory_space<hbm>> -> memref<10000x128xf32, #tpu.memory_space<hbm>>
    tpu.wait_indirect_dma semaphore(%arg23 : memref<!tpu.dma_semaphore, #tpu.memory_space<semaphore_mem>>) src(%dma_wait3A_276 : memref<10000x128xf32, #tpu.memory_space<hbm>>) dst(%arg7 : memref<80x128xf32, #tpu.memory_space<vmem>>)
    %dma_start3A_277 = arith.constant 1 : i32
    %dma_start3A_278 = arith.constant 0 : i32
    %dma_start3A_279 = tpu.memref_slice %arg15[%dma_start3A_277, %dma_start3A_278] : memref<2x80xi32, #tpu.memory_space<vmem>> -> memref<1x80xi32, #tpu.memory_space<vmem>>
    %dma_start3A_280 = tpu.memref_squeeze %dma_start3A_279 : memref<1x80xi32, #tpu.memory_space<vmem>> -> memref<80xi32, #tpu.memory_space<vmem>>
    %dma_start3A_281 = arith.constant 0 : i32
    %dma_start3A_282 = arith.constant 0 : i32
    %dma_start3A_283 = tpu.memref_slice %arg6[%dma_start3A_281, %dma_start3A_282] : memref<10000x128xf32, #tpu.memory_space<vmem_shared>> -> memref<10000x128xf32, #tpu.memory_space<vmem_shared>>
    tpu.enqueue_indirect_dma source(%arg7 : memref<80x128xf32, #tpu.memory_space<vmem>>) target(%dma_start3A_283 : memref<10000x128xf32, #tpu.memory_space<vmem_shared>>) offsets(%dma_start3A_280 : memref<80xi32, #tpu.memory_space<vmem>>) semaphore(%arg27 : memref<!tpu.dma_semaphore, #tpu.memory_space<semaphore_mem>>) {add = true}
    %dma_wait3A_284 = arith.constant 1 : i32
    %dma_wait3A_285 = arith.constant 0 : i32
    %dma_wait3A_286 = tpu.memref_slice %arg15[%dma_wait3A_284, %dma_wait3A_285] : memref<2x80xi32, #tpu.memory_space<vmem>> -> memref<1x80xi32, #tpu.memory_space<vmem>>
    %dma_wait3A_287 = tpu.memref_squeeze %dma_wait3A_286 : memref<1x80xi32, #tpu.memory_space<vmem>> -> memref<80xi32, #tpu.memory_space<vmem>>
    %dma_wait3A_288 = arith.constant 0 : i32
    %dma_wait3A_289 = arith.constant 0 : i32
    %dma_wait3A_290 = tpu.memref_slice %arg6[%dma_wait3A_288, %dma_wait3A_289] : memref<10000x128xf32, #tpu.memory_space<vmem_shared>> -> memref<10000x128xf32, #tpu.memory_space<vmem_shared>>
    tpu.wait_indirect_dma semaphore(%arg27 : memref<!tpu.dma_semaphore, #tpu.memory_space<semaphore_mem>>) src(%arg7 : memref<80x128xf32, #tpu.memory_space<vmem>>) dst(%dma_wait3A_290 : memref<10000x128xf32, #tpu.memory_space<vmem_shared>>)
    %barrier3A_291 = arith.constant 0 : index
    tpu.barrier barrier_id(%barrier3A_291)
    %scan3A_292 = arith.constant 0 : i32
    %scan3A_293 = arith.constant 8 : i32
    %scan3A_294 = arith.addi %scan3A_292, %scan3A_293 : i32
    %scan3A_295 = arith.constant 1 : i32
    scf.for %scan3A_302 = %scan3A_292 to %scan3A_294 step %scan3A_295  : i32 {
      %mul3A_303 = arith.constant 1 : i32
      %mul3A_304 = arith.muli %scan3A_302, %mul3A_303 : i32
      %add3A_305 = arith.constant 0 : i32
      %add3A_306 = arith.addi %add3A_305, %mul3A_304 : i32
      %mul3A_307 = arith.constant 16 : i32
      %mul3A_308 = arith.muli %add3A_306, %mul3A_307 : i32
      %add3A_309 = arith.addi %arg1, %mul3A_308 : i32
      %lt3A = arith.constant 125 : i32
      %lt3A_310 = arith.cmpi slt, %add3A_309, %lt3A : i32
      %convert_element_type3A = arith.extui %lt3A_310 : i1 to i32
      %cond3A = arith.constant 0 : i32
      %cond3A_311 = arith.cmpi ne, %convert_element_type3A, %cond3A : i32
      scf.if %cond3A_311 {
        %mul3A_312 = arith.constant 80 : i32
        %mul3A_313 = arith.muli %add3A_309, %mul3A_312 : i32
        %mul3A_314 = arith.constant 80 : i32
        %mul3A_315 = arith.muli %add3A_309, %mul3A_314 : i32
        %dma_start3A_316 = arith.constant 0 : i32
        %dma_start3A_317 = tpu.memref_slice %arg5[%arg0, %mul3A_315, %dma_start3A_316] : memref<2x10000x128xf32, #tpu.memory_space<hbm>> -> memref<1x80x128xf32, #tpu.memory_space<hbm>>
        %dma_start3A_318 = tpu.memref_squeeze %dma_start3A_317 : memref<1x80x128xf32, #tpu.memory_space<hbm>> -> memref<80x128xf32, #tpu.memory_space<hbm>>
        %dma_start3A_319 = arith.constant 0 : i32
        %dma_start3A_320 = tpu.memref_slice %arg6[%mul3A_313, %dma_start3A_319] : memref<10000x128xf32, #tpu.memory_space<vmem_shared>> -> memref<80x128xf32, #tpu.memory_space<vmem_shared>>
        tpu.enqueue_dma source(%dma_start3A_320 : memref<80x128xf32, #tpu.memory_space<vmem_shared>>) target(%dma_start3A_318 : memref<80x128xf32, #tpu.memory_space<hbm>>) target_semaphore(%arg31 : memref<!tpu.dma_semaphore, #tpu.memory_space<semaphore_mem>>)
      } else {
      }
    }
    %scan3A_296 = arith.constant 8 : i32
    %scan3A_297 = arith.constant 0 : i32
    %scan3A_298 = arith.constant 8 : i32
    %scan3A_299 = arith.addi %scan3A_297, %scan3A_298 : i32
    %scan3A_300 = arith.constant 1 : i32
    scf.for %scan3A_302 = %scan3A_297 to %scan3A_299 step %scan3A_300  : i32 {
      %mul3A_303 = arith.constant 1 : i32
      %mul3A_304 = arith.muli %scan3A_302, %mul3A_303 : i32
      %add3A_305 = arith.constant 0 : i32
      %add3A_306 = arith.addi %add3A_305, %mul3A_304 : i32
      %mul3A_307 = arith.constant 16 : i32
      %mul3A_308 = arith.muli %add3A_306, %mul3A_307 : i32
      %add3A_309 = arith.addi %arg1, %mul3A_308 : i32
      %lt3A = arith.constant 125 : i32
      %lt3A_310 = arith.cmpi slt, %add3A_309, %lt3A : i32
      %convert_element_type3A = arith.extui %lt3A_310 : i1 to i32
      %cond3A = arith.constant 0 : i32
      %cond3A_311 = arith.cmpi ne, %convert_element_type3A, %cond3A : i32
      scf.if %cond3A_311 {
        %mul3A_312 = arith.constant 80 : i32
        %mul3A_313 = arith.muli %add3A_309, %mul3A_312 : i32
        %mul3A_314 = arith.constant 80 : i32
        %mul3A_315 = arith.muli %add3A_309, %mul3A_314 : i32
        %dma_wait3A_316 = arith.constant 0 : i32
        %dma_wait3A_317 = tpu.memref_slice %arg5[%arg0, %mul3A_315, %dma_wait3A_316] : memref<2x10000x128xf32, #tpu.memory_space<hbm>> -> memref<1x80x128xf32, #tpu.memory_space<hbm>>
        %dma_wait3A_318 = tpu.memref_squeeze %dma_wait3A_317 : memref<1x80x128xf32, #tpu.memory_space<hbm>> -> memref<80x128xf32, #tpu.memory_space<hbm>>
        %dma_wait3A_319 = arith.constant 0 : i32
        %dma_wait3A_320 = tpu.memref_slice %arg6[%mul3A_313, %dma_wait3A_319] : memref<10000x128xf32, #tpu.memory_space<vmem_shared>> -> memref<80x128xf32, #tpu.memory_space<vmem_shared>>
        tpu.wait_dma2 semaphore(%arg31 : memref<!tpu.dma_semaphore, #tpu.memory_space<semaphore_mem>>) src(%dma_wait3A_320 : memref<80x128xf32, #tpu.memory_space<vmem_shared>>) dst(%dma_wait3A_318 : memref<80x128xf32, #tpu.memory_space<hbm>>)
      } else {
      }
    }
    %scan3A_301 = arith.constant 8 : i32
    return
  }
}

module attributes {stable_mosaic.version = 14 : i64} {
  func.func @_feat_body(%arg0: i32, %arg1: memref<5000x128xf32, #tpu.memory_space<vmem>>, %arg2: memref<128x128xf32, #tpu.memory_space<vmem>>, %arg3: memref<5000x1xf32, #tpu.memory_space<vmem>>, %arg4: memref<5000x128xf32, #tpu.memory_space<vmem>>) attributes {dimension_semantics = [#tpu.dimension_semantics<arbitrary>], iteration_bounds = array<i64: 2>, scalar_prefetch = 0 : i64, scratch_operands = 0 : i64, tpu.core_type = #tpu.core_type<tc>, window_params = [{transform_indices = @transform_0, window_bounds = array<i64: 5000, 128>}, {pipeline_mode = #tpu.pipeline_mode<synchronous>, transform_indices = @transform_1, window_bounds = array<i64: 128, 128>}, {transform_indices = @transform_2, window_bounds = array<i64: 5000, 1>}, {transform_indices = @transform_3, window_bounds = array<i64: 5000, 128>}]} {
    %get3A = arith.constant 0 : index
    %get3A_0 = arith.constant 0 : index
    %get3A_1 = vector.load %arg1[%get3A, %get3A_0] : memref<5000x128xf32, #tpu.memory_space<vmem>>, vector<5000x128xf32>
    %get3A_2 = arith.constant 0 : index
    %get3A_3 = arith.constant 0 : index
    %get3A_4 = vector.load %arg2[%get3A_2, %get3A_3] : memref<128x128xf32, #tpu.memory_space<vmem>>, vector<128x128xf32>
    %dot_general3A = arith.constant dense<0.000000e+00> : vector<5000x128xf32>
    %dot_general3A_5 = tpu.matmul %get3A_1, %get3A_4, %dot_general3A {dimension_numbers = #tpu.dot_dimension_numbers<[1], [0], [0], [1], [0, 0, 1, 1], [], []>, transpose_lhs_hint = false} : vector<5000x128xf32>, vector<128x128xf32>, vector<5000x128xf32> -> vector<5000x128xf32>
    %get3A_6 = arith.constant 0 : index
    %get3A_7 = arith.constant 0 : index
    %get3A_8 = vector.load %arg3[%get3A_6, %get3A_7] : memref<5000x1xf32, #tpu.memory_space<vmem>>, vector<5000x1xf32>
    %mul3A = vector.broadcast %get3A_8 : vector<5000x1xf32> to vector<5000x128xf32>
    %mul3A_9 = arith.mulf %dot_general3A_5, %mul3A : vector<5000x128xf32>
    %swap3A = arith.constant 0 : index
    %swap3A_10 = arith.constant 0 : index
    %swap3A_11 = vector.load %arg4[%swap3A, %swap3A_10] : memref<5000x128xf32, #tpu.memory_space<vmem>>, vector<5000x128xf32>
    tpu.vector_store %arg4[%swap3A, %swap3A_10], %mul3A_9 {strides = array<i32>} : memref<5000x128xf32, #tpu.memory_space<vmem>>, vector<5000x128xf32>,
    return
  }
  func.func @transform_0(%arg0: i32) -> (i32, i32) {
    %c0_i32 = arith.constant 0 : i32
    %c0_i32_0 = arith.constant 0 : i32
    return %arg0, %c0_i32 : i32, i32
  }
  func.func @transform_1(%arg0: i32) -> (i32, i32) {
    %c0_i32 = arith.constant 0 : i32
    %c0_i32_0 = arith.constant 0 : i32
    %c0_i32_1 = arith.constant 0 : i32
    return %c0_i32, %c0_i32_0 : i32, i32
  }
  func.func @transform_2(%arg0: i32) -> (i32, i32) {
    %c0_i32 = arith.constant 0 : i32
    %c0_i32_0 = arith.constant 0 : i32
    return %arg0, %c0_i32 : i32, i32
  }
  func.func @transform_3(%arg0: i32) -> (i32, i32) {
    %c0_i32 = arith.constant 0 : i32
    %c0_i32_0 = arith.constant 0 : i32
    return %arg0, %c0_i32 : i32, i32
  }
}

module attributes {stable_mosaic.version = 14 : i64} {
  func.func @_combine_body(%arg0: i32, %arg1: memref<2x5000x128xf32, #tpu.memory_space<vmem>>, %arg2: memref<5000x1xf32, #tpu.memory_space<vmem>>, %arg3: memref<5000x128xf32, #tpu.memory_space<vmem>>) attributes {dimension_semantics = [#tpu.dimension_semantics<arbitrary>], iteration_bounds = array<i64: 2>, scalar_prefetch = 0 : i64, scratch_operands = 0 : i64, tpu.core_type = #tpu.core_type<tc>, window_params = [{transform_indices = @transform_0, window_bounds = array<i64: 2, 5000, 128>}, {transform_indices = @transform_1, window_bounds = array<i64: 5000, 1>}, {transform_indices = @transform_2, window_bounds = array<i64: 5000, 128>}]} {
    %get3A = arith.constant 0 : index
    %get3A_0 = arith.constant 0 : index
    %get3A_1 = arith.constant 0 : index
    %get3A_2 = vector.load %arg1[%get3A, %get3A_0, %get3A_1] : memref<2x5000x128xf32, #tpu.memory_space<vmem>>, vector<1x5000x128xf32>
    %get3A_3 = vector.shape_cast %get3A_2 : vector<1x5000x128xf32> to vector<5000x128xf32>
    %get3A_4 = arith.constant 1 : index
    %get3A_5 = arith.constant 0 : index
    %get3A_6 = arith.constant 0 : index
    %get3A_7 = vector.load %arg1[%get3A_4, %get3A_5, %get3A_6] : memref<2x5000x128xf32, #tpu.memory_space<vmem>>, vector<1x5000x128xf32>
    %get3A_8 = vector.shape_cast %get3A_7 : vector<1x5000x128xf32> to vector<5000x128xf32>
    %add3A = arith.addf %get3A_3, %get3A_8 : vector<5000x128xf32>
    %get3A_9 = arith.constant 0 : index
    %get3A_10 = arith.constant 0 : index
    %get3A_11 = vector.load %arg2[%get3A_9, %get3A_10] : memref<5000x1xf32, #tpu.memory_space<vmem>>, vector<5000x1xf32>
    %mul3A = vector.broadcast %get3A_11 : vector<5000x1xf32> to vector<5000x128xf32>
    %mul3A_12 = arith.mulf %add3A, %mul3A : vector<5000x128xf32>
    %swap3A = arith.constant 0 : index
    %swap3A_13 = arith.constant 0 : index
    %swap3A_14 = vector.load %arg3[%swap3A, %swap3A_13] : memref<5000x128xf32, #tpu.memory_space<vmem>>, vector<5000x128xf32>
    tpu.vector_store %arg3[%swap3A, %swap3A_13], %mul3A_12 {strides = array<i32>} : memref<5000x128xf32, #tpu.memory_space<vmem>>, vector<5000x128xf32>,
    return
  }
  func.func @transform_0(%arg0: i32) -> (i32, i32, i32) {
    %c0_i32 = arith.constant 0 : i32
    %c0_i32_0 = arith.constant 0 : i32
    %c0_i32_1 = arith.constant 0 : i32
    return %c0_i32, %arg0, %c0_i32_0 : i32, i32, i32
  }
  func.func @transform_1(%arg0: i32) -> (i32, i32) {
    %c0_i32 = arith.constant 0 : i32
    %c0_i32_0 = arith.constant 0 : i32
    return %arg0, %c0_i32 : i32, i32
  }
  func.func @transform_2(%arg0: i32) -> (i32, i32) {
    %c0_i32 = arith.constant 0 : i32
    %c0_i32_0 = arith.constant 0 : i32
    return %arg0, %c0_i32 : i32, i32
  }
}

</mosaic_0001>

<sc_bundles>
// kernel: kernel.5.cloned.1.call-start
scs
__scs_entry_jumppad:
0x0: {  	(pc) =	sbr.rel $0x88, $3  }
0x1: {  	(tag) =	ssettag $0x0;
	lr =	simm.s32 $0x1  }
0x2: {  	[smem:$0x3F9C] =	sst lr;
	_ =	strace $0xD0000000  }
0x3: {  	_ = 	snop  }
0x4: {  	_ = 	snop  }
0x5: {  	_ = 	snop  }
0x6: {  	_ = 	snop  }
0x7: {  	_ = 	snop  }
__scs_overlays_trampoline_lowered:
0x8: {  	[smem:$0x3FAB] =	sst s0  }
0x9: {  	[smem:$0x3FAC] =	sst s1  }
0xa: {  	[smem:$0x3FAD] =	sst s2  }
0xb: {  	[smem:$0x3FAE] =	sst s3  }
0xc: {  	[smem:$0x3FAF] =	sst s4  }
0xd: {  	[smem:$0x3FB0] =	sst s5  }
0xe: {  	[smem:$0x3FB1] =	sst s6  }
0xf: {  	[smem:$0x3FB2] =	sst s7  }
0x10: {  	[smem:$0x3FB3] =	sst s8  }
0x11: {  	[smem:$0x3FB4] =	sst s9;
	s0 =	simm.s32 @!p0 $0x0  }
0x12: {  	s1 =	sld [smem:$0x3F9A];
	s0 =	simm.s32 @p0 $0x1  }
0x13: {  	[smem:$0x3FB5] =	sst s0;
	s0 =	simm.s32 @!p1 $0x0  }
0x14: {  	s2 =	sld [smem:$0x3F99];
	s0 =	simm.s32 @p1 $0x1  }
0x15: {  	[smem:$0x3FB6] =	sst s0;
	s0 =	simm.s32 @!p2 $0x0  }
0x16: {  	s3 =	sld [smem:$0x3FDB];
	s0 =	simm.s32 @p2 $0x1  }
0x17: {  	s4 =	simm.s32 $0x1BF5;
	[smem:$0x3FB8] =	sst s0  }
0x18: {  	s0 =	sld [smem:$0x3F9B];
	_ =	swait.ge [sflag:s4], $0x0  }
0x19: {  	s7 =	sld [smem:$0x3F9C]  }
0x1a: {  	s8 =	sadd.s32 $0xFFFFE003, lr  }
0x1b: {  	s9 =	sadd.s32 $0xFFFFFEF7, lr;
	s5 =	simm.s32 $0xFFFFFFFF;
	p2 =	slt.u32 s8, $0xFFFFF086  }
0x1c: {  	p1 =	slt.u32 s9, $0xF7A;
	s5 =	simm.s32 @!p2 $0x0  }
0x1d: {  	s5 =	simm.s32 @p1 $0x1;
	p0 =	seq.s32 s7, s2  }
0x1e: {  	s7 =	smul.u32 @!p0 $0xF7A, s2;
	p2 =	seq.s32 @!p0 s5, $0x0  }
0x1f: {  	s9 =	smul.u32 $0xF7A, s1;
	s8 =	simm.s32 @!p0 $0x1BF5;
	p2 =	por !p2, p0  }
0x20: {  	[sflag:s8] =	ssyncset.s32 @!p0 $0xFFFFF086;
	s6 =	sadd.s32 @!p0 s3, s7;
	s7 =	simm.s32 @!p0 $0x108  }
0x21: {  	s3 =	sadd.s32 s3, s9;
	s6 =	sadd.s32 @!p0 $0x88, s6;
	s7 =	simm.s32 @p2 $0x1082  }
0x22: {  	[simem:s7], [sflag:s8] =	dma.local @!p0 [hbm:s6], $0xF7A  }
0x23: {  	s9 =	sor.u32 $0xD0000000, s2;
	s6 =	simm.s32 $0x108;
	_ =	swait.ge @!p0 [sflag:s8], $0x0  }
0x24: {  	s3 =	sadd.s32 $0x88, s3;
	s6 =	simm.s32 @!p1 $0x1082;
	[sflag:s4] =	ssyncset.s32 $0xFFFFF086  }
0x25: {  	[simem:s6], [sflag:s4] =	dma.local [hbm:s3], $0xF7A  }
0x26: {  	[smem:$0x3F9C] =	sst s1;
	(tag) =	ssettag s2;
	_ =	strace s9  }
0x27: {  	s1 =	sld [smem:$0x3FAC]  }
0x28: {  	s2 =	sld [smem:$0x3FAD]  }
0x29: {  	s4 =	sld [smem:$0x3FAF]  }
0x2a: {  	p0 =	seq.s32 s5, $0x0;
	s5 =	sld [smem:$0x3FB0]  }
0x2b: {  	s6 =	sld [smem:$0x3FB1]  }
0x2c: {  	s7 =	sld [smem:$0x3FB2]  }
0x2d: {  	s3 =	simm.s32 $0x108;
	s8 =	sld [smem:$0x3FB3]  }
0x2e: {  	s3 =	simm.s32 @!p0 $0x1082;
	s9 =	sld [smem:$0x3FB4]  }
0x2f: {  	lr =	sadd.s32 s0, s3;
	s0 =	sld [smem:$0x3FAB]  }
0x30: {  	s3 =	sld [smem:$0x3FAE]  }
0x31: {  	[smem:$0x3FB7] =	sst s10  }
0x32: {  	s10 =	sld [smem:$0x3FB5];
	_ =	sdelay $0x3  }
0x33: {  	p0 =	seq.s32 s10, $0x1;
	s10 =	sld [smem:$0x3FB7];
	_ =	sdelay $0x3  }
0x34: {  	[smem:$0x3FB7] =	sst s10  }
0x35: {  	s10 =	sld [smem:$0x3FB6];
	_ =	sdelay $0x3  }
0x36: {  	p1 =	seq.s32 s10, $0x1;
	s10 =	sld [smem:$0x3FB7];
	_ =	sdelay $0x3  }
0x37: {  	[smem:$0x3FB7] =	sst s10  }
0x38: {  	s10 =	sld [smem:$0x3FB8]  }
0x39: {  	_ = 	snop;
	(pc) =	sbr.ind lr, $3  }
0x3a: {  	_ = 	snop  }
0x3b: {  	_ = 	snop  }
0x3c: {  	p2 =	seq.s32 s10, $0x1;
	s10 =	sld [smem:$0x3FB7]  }
0x3d: {  	_ =	shalt  }
0x3e: {  	_ =	shalt  }
0x3f: {  	_ =	shalt  }
0x40: {  	_ =	shalt  }
0x41: {  	_ =	shalt  }
0x42: {  	_ =	shalt  }
0x43: {  	_ =	shalt  }
0x44: {  	_ =	shalt  }
0x45: {  	_ =	shalt  }
0x46: {  	_ =	shalt  }
0x47: {  	_ =	shalt  }
0x48: {  	_ =	shalt  }
0x49: {  	_ =	shalt  }
0x4a: {  	_ =	shalt  }
0x4b: {  	_ =	shalt  }
0x4c: {  	_ =	shalt  }
0x4d: {  	_ =	shalt  }
0x4e: {  	_ =	shalt  }
0x4f: {  	_ =	shalt  }
0x50: {  	_ =	shalt  }
0x51: {  	_ =	shalt  }
0x52: {  	_ =	shalt  }
0x53: {  	_ =	shalt  }
0x54: {  	_ =	shalt  }
0x55: {  	_ =	shalt  }
0x56: {  	_ =	shalt  }
0x57: {  	_ =	shalt  }
0x58: {  	_ =	shalt  }
0x59: {  	_ =	shalt  }
0x5a: {  	_ =	shalt  }
0x5b: {  	_ =	shalt  }
0x5c: {  	_ =	shalt  }
0x5d: {  	_ =	shalt  }
0x5e: {  	_ =	shalt  }
0x5f: {  	_ =	shalt  }
0x60: {  	_ =	shalt  }
0x61: {  	_ =	shalt  }
0x62: {  	_ =	shalt  }
0x63: {  	_ =	shalt  }
0x64: {  	_ =	shalt  }
0x65: {  	_ =	shalt  }
0x66: {  	_ =	shalt  }
0x67: {  	_ =	shalt  }
0x68: {  	_ =	shalt  }
0x69: {  	_ =	shalt  }
0x6a: {  	_ =	shalt  }
0x6b: {  	_ =	shalt  }
0x6c: {  	_ =	shalt  }
0x6d: {  	_ =	shalt  }
0x6e: {  	_ =	shalt  }
0x6f: {  	_ =	shalt  }
0x70: {  	_ =	shalt  }
0x71: {  	_ =	shalt  }
0x72: {  	_ =	shalt  }
0x73: {  	_ =	shalt  }
0x74: {  	_ =	shalt  }
0x75: {  	_ =	shalt  }
0x76: {  	_ =	shalt  }
0x77: {  	_ =	shalt  }
0x78: {  	_ =	shalt  }
0x79: {  	_ =	shalt  }
0x7a: {  	_ =	shalt  }
0x7b: {  	_ =	shalt  }
0x7c: {  	_ =	shalt  }
0x7d: {  	_ =	shalt  }
0x7e: {  	_ =	shalt  }
0x7f: {  	_ =	shalt  }
0x80: {  	_ =	shalt  }
0x81: {  	_ =	shalt  }
0x82: {  	_ =	shalt  }
0x83: {  	_ =	shalt  }
0x84: {  	_ =	shalt  }
0x85: {  	_ =	shalt  }
0x86: {  	_ =	shalt  }
0x87: {  	_ =	shalt  }
.Lfunc_end0:
.L_simem_size_0:
called_computation_lowered:
.L_overlay_start_0:
0x88: {  	s2 =	sld [smem:$0x3FD9]  }
0x89: {  	s3 =	sld [smem:$0x3FFE];
	_ =	sdelay $0x1  }
0x8a: {  	s1 =	srdreg.scid  }
0x8b: {  	s0 =	sand.u32 $0x1, s1  }
0x8c: {  	s17 =	sshll.u32 s0, $0xA;
	s2 =	sadd.s32 s3, s2  }
0x8d: {  	s2 =	sadd.s32 s2, s17  }
0x8e: {  	[smem:$0x3FC3] =	sst s2  }
0x8f: {  	_ = 	snop  }
0x90: {  	s2 =	sld [smem:$0x3FD0];
	(tm) =	ssettm $0x1  }
0x91: {  	s18 =	sld [smem:$0x3FFB];
	_ =	sdelay $0x3  }
0x92: {  	_ =	strace s18  }
0x93: {  	s3 =	sld [smem:$0x3FFC];
	_ =	sdelay $0x3  }
0x94: {  	_ =	strace s3  }
0x95: {  	s3 =	sld [smem:$0x3FFD];
	_ =	sdelay $0x3  }
0x96: {  	_ =	strace s3  }
0x97: {  	_ =	strace $0x8FFFFFFF  }
0x98: {  	s19 =	sld [smem:$0x3FDB];
	_ =	sdelay $0x1  }
0x99: {  	s4 =	simm.s32 $_scs_section_size  }
0x9a: {  	s5 =	simm.s32 $_size__tile_overlayer_lowered;
	s6 =	simm.s32 $_tile_overlayer_lowered  }
0x9b: {  	s22 =	simm.s32 $0x1BFF;
	s21 =	sshll.u32 s6, $0x1;
	s3 =	sadd.s32 s4, s19  }
0x9c: {  	s7 =	simm.s32 $0x0;
	s20 =	sshll.u32 s5, $0x1;
	s5 =	sadd.s32 s21, s3  }
0x9d: {  	[timem:s7], [sflag:s22] =	dma.local [hbm:s5], s20  }
0x9e: {  	_ =	swait.ge [sflag:s22], s20  }
0x9f: {  	s4 =	ssub.s32 $0x0, s20;
	[sflag:s22] =	ssyncset.done $0x0  }
0xa0: {  	[sflag:s22] =	ssyncadd.s32 s4;
	_ =	sdelay $0x1  }
0xa1: {  	s23 =	simm.s32 $0x1B8B  }
0xa2: {  	_ =	swait.ge [sflag:s23], $0x1  }
0xa3: {  	[sflag:s23] =	ssyncset.done $0x0  }
0xa4: {  	s25 =	simm.s32 $0x1B8E;
	s24 =	sld [smem:$0x3FFE];
	[sflag:s23] =	ssyncadd.s32 $0xFFFFFFFF  }
0xa5: {  	s26 =	simm.s32 $execute0_lowered;
	[smem:$0x3FD2] =	sst s25  }
0xa6: {  	s5 =	sshll.u32 s26, $0x1;
	_ =	strace $0x80000046;
	[dreg:$0x1] =	wrdreg $0xFFFFFFFF  }
0xa7: {  	s28 =	simm.s32 $_size_execute0_lowered;
	s3 =	sadd.s32 s3, s5;
	[dreg:$0x0] =	wrdreg $0x0  }
0xa8: {  	s5 =	sshll.u32 s28, $0x1;
	[dreg:$0x2] =	wrdreg s3  }
0xa9: {  	[dreg:$0x3] =	wrdreg s5  }
0xaa: {  	[dreg:$0x4] =	wrdreg $0xC0  }
0xab: {  	_ =	task [dreg:s7], $0x5FFFF  }
0xac: {  	[dreg:$0x1] =	wrdreg $0xFFFFFFFF  }
0xad: {  	[dreg:$0x0] =	wrdreg $0x60  }
0xae: {  	[dreg:$0x2] =	wrdreg s2  }
0xaf: {  	[dreg:$0x3] =	wrdreg s24  }
0xb0: {  	[dreg:$0x4] =	wrdreg $0x0  }
0xb1: {  	[dreg:$0x5] =	wrdreg $0x9  }
0xb2: {  	_ =	task.clear_ibuf [dreg:s7], $0x6FFFF;
	_ =	strace $0x90000046  }
0xb3: {  	s29 =	simm.s32 $0x9;
	_ =	strace $0x80000048  }
0xb4: {  	_ =	swait.ge [sflag:s29], $0x1  }
0xb5: {  	[sflag:s29] =	ssyncadd.s32 $0xFFFFFFFF  }
0xb6: {  	_ =	strace $0x90000048  }
0xb7: {  	_ =	sfence  }
0xb8: {  	s30 =	sld [smem:$0x0];
	_ =	sdelay $0x2  }
0xb9: {  	s31 =	sshll.u32 s1, $0xD;
	s1 =	sshrl.u32 s1, $0x2  }
0xba: {  	s3 =	sand.u32 $0x4000, s31;
	s1 =	sadd.s32 s1, s30  }
0xbb: {  	s0 =	sor.u32 s3, s0;
	s1 =	sshll.u32 s1, $0x11  }
0xbc: {  	s0 =	sor.u32 s1, s0  }
0xbd: {  	s0 =	sadd.s32 $0x8F2B, s0  }
0xbe: {  	[sflag:s0] =	ssyncadd.remote.s32 $0x1  }
0xbf: {  	_ =	sfence.sel $0xFFFF  }
0xc0: {  	[dreg:$0x0] =	wrdreg $0xFFFFFFFF;
	(pc) =	sbr.abs _section_cstart, $3  }
0xc1: {  	[dreg:$0x1] =	wrdreg $0xFFFFFFFF  }
0xc2: {  	_ =	task.clear_ibuf [dreg:s7], $0x2FFFF;
	_ =	strace $0x9FFFFFFF  }
0xc3: {  	(tm) =	ssettm $0x7FFFFFFF  }
tec
execute0_lowered:
.L_overlay_start_1:
0x0: {  	(tag) =	ssettag $0x1  }
0x1: {  	s1 =	rddreg [dreg:$0x0]  }
0x2: {  	s4 =	srdreg.scid;
	s24 =	stileid.u32  }
0x3: {  	s0 =	rddreg [dreg:$0x1];
	s4 =	sand.u32 $0x1, s4;
	s10 =	smul.u32 $0x2800, s24  }
0x4: {  	s2 =	rddreg [dreg:$0x2];
	s9 =	sor.u32 $0x10, s24;
	s8 =	smul.u32 $0x138800, s4  }
0x5: {  	s3 =	simm.s32 $0x0;
	s12 =	sor.u32 $0x20, s24;
	s13 =	smul.u32 $0x2800, s9  }
0x6: {  	[smem:$0x7FF] =	sst s3;
	s14 =	sor.u32 $0x30, s24;
	s15 =	smul.u32 $0x2800, s12  }
0x7: {  	s5 =	sadd.s32 $0xE00, s0;
	s16 =	sor.u32 $0x40, s24;
	s17 =	smul.u32 $0x2800, s14  }
0x8: {  	s6 =	sadd.s32 $0x10E00, s0;
	s18 =	sor.u32 $0x50, s24;
	s19 =	smul.u32 $0x2800, s16  }
0x9: {  	s0 =	sadd.s32 $0x20E00, s0;
	s21 =	sor.u32 $0x70, s24;
	s20 =	smul.u32 $0x2800, s18  }
0xa: {  	s26 =	sshll.u32 s24, $0xE;
	p1 =	sgt.u32 s24, $0xC;
	s23 =	smul.u32 $0x2800, s21  }
0xb: {  	_ =	strace $0x80000047;
	s7 =	ssub.s32 $0x2, s4;
	s12 =	smul.u32 $0xA000, s12  }
0xc: {  	s4 =	sshll.u32 s4, $0x12;
	s16 =	smul.u32 $0xA000, s16;
	s11 =	sshrl.u32 s7, $0x1  }
0xd: {  	s18 =	smul.u32 $0xA000, s18;
	p0 =	sgt.u32 s21, $0x7C;
	s11 =	ssub.s32 s7, s11  }
0xe: {  	s7 =	sor.u32 s26, s4;
	s4 =	sor.u32 $0x60, s24;
	s10 =	sadd.s32 s8, s10  }
0xf: {  	s13 =	sadd.s32 s8, s13;
	s15 =	sadd.s32 s8, s15;
	s17 =	sadd.s32 s8, s17  }
0x10: {  	s19 =	sadd.s32 s8, s19;
	s20 =	sadd.s32 s8, s20;
	s22 =	smul.u32 $0x2800, s4  }
0x11: {  	s10 =	sshrl.u32 s10, $0x3;
	s28 =	sshrl.u32 s13, $0x3;
	s13 =	sshrl.u32 s15, $0x3  }
0x12: {  	s15 =	sshrl.u32 s17, $0x3;
	s19 =	sshrl.u32 s19, $0x3;
	s20 =	sshrl.u32 s20, $0x3  }
0x13: {  	s4 =	smul.u32 $0xA000, s4;
	s10 =	sadd.s32 s0, s10;
	s17 =	sadd.s32 s0, s15  }
0x14: {  	s22 =	sadd.s32 s8, s22;
	s8 =	sadd.s32 s8, s23;
	[dreg:$0x4] =	wrdreg s10  }
0x15: {  	s23 =	sshrl.u32 s7, $0x3;
	s10 =	sadd.s32 s0, s28;
	[dreg:$0x7] =	wrdreg s17  }
0x16: {  	[dreg:$0x5] =	wrdreg s10;
	s10 =	sadd.s32 s0, s13;
	s22 =	sshrl.u32 s22, $0x3  }
0x17: {  	s8 =	sshrl.u32 s8, $0x3;
	[dreg:$0x6] =	wrdreg s10;
	s10 =	sadd.s32 s0, s19  }
0x18: {  	s26 =	sor.u32 $0x10, s23;
	s25 =	sadd.s32 s0, s22;
	[dreg:$0x8] =	wrdreg s10  }
0x19: {  	s28 =	sor.u32 $0x20, s23;
	s13 =	sadd.s32 s5, s26;
	[dreg:$0xa] =	wrdreg s25  }
0x1a: {  	s15 =	sadd.s32 s5, s28;
	s17 =	sadd.s32 s6, s28;
	[dreg:$0xc] =	wrdreg s13  }
0x1b: {  	s19 =	smul.u32 $0xA000, s9;
	s22 =	sadd.s32 s6, s23;
	[dreg:$0xe] =	wrdreg s15  }
0x1c: {  	s10 =	sadd.s32 s0, s20;
	s0 =	sadd.s32 s0, s8;
	[dreg:$0xf] =	wrdreg s17  }
0x1d: {  	s20 =	sadd.s32 s5, s23;
	[dreg:$0x11] =	wrdreg s22;
	s25 =	sor.u32 $0x30, s23  }
0x1e: {  	s13 =	smax.u32 s11, $0x1;
	s15 =	smul.u32 $0xA000, s14;
	s17 =	sshrl.u32 s12, $0x2  }
0x1f: {  	s22 =	sshrl.u32 s18, $0x2;
	s23 =	sshrl.u32 s4, $0x2;
	s4 =	simm.s32 $0x1D880  }
0x20: {  	s12 =	simm.s32 $0x13880;
	s14 =	simm.s32 $0x50;
	[dreg:$0x9] =	wrdreg s10  }
0x21: {  	s18 =	simm.s32 $0x4;
	s11 =	simm.s32 $0xC;
	[dreg:$0xb] =	wrdreg s0  }
0x22: {  	s0 =	sadd.s32 s6, s26;
	[dreg:$0x10] =	wrdreg s20;
	s26 =	smul.u32 $0xA000, s24  }
0x23: {  	s28 =	sadd.s32 s5, s25;
	s8 =	sadd.s32 s6, s25;
	[dreg:$0x14] =	wrdreg s13  }
0x24: {  	s30 =	sadd.s32 s17, s2;
	s20 =	smul.u32 $0xA000, s21;
	[dreg:$0xd] =	wrdreg s0  }
0x25: {  	s13 =	simm.s32 $0x2;
	s24 =	simm.s32 $0x8;
	[dreg:$0x12] =	wrdreg s28  }
0x26: {  	s10 =	simm.s32 $0xB;
	s17 =	simm.s32 $0x0;
	[dreg:$0x13] =	wrdreg s8  }
0x27: {  	s0 =	sshrl.u32 s19, $0x2;
	s19 =	sshrl.u32 s15, $0x2;
	s15 =	simm.s32 $0x16080  }
0x28: {  	s8 =	simm.s32 $0x9;
	[dreg:$0x17] =	wrdreg s30;
	s9 =	sshrl.u32 s26, $0x2  }
0x29: {  	s29 =	sadd.s32 s0, s2;
	s31 =	sadd.s32 s19, s2;
	s0 =	sadd.s32 s22, s2  }
0x2a: {  	s26 =	sshrl.u32 s20, $0x2;
	s19 =	simm.s32 $0x1B080;
	[dreg:$0x1a] =	wrdreg s0  }
0x2b: {  	s20 =	simm.s32 $0xD;
	s22 =	simm.s32 $0x5;
	[dreg:$0x16] =	wrdreg s29  }
.Ltmp0:
0x2c: {  	s0 =	sadd.s32 s23, s2;
	[dreg:$0x18] =	wrdreg s31;
	(pc) =	sbr.rel .LBB2_1-.Ltmp0, $4  }
0x2d: {  	s25 =	sadd.s32 s9, s2;
	s28 =	sadd.s32 s26, s2;
	[dreg:$0x1b] =	wrdreg s0  }
0x2e: {  	s9 =	sshrl.u32 s16, $0x2;
	s16 =	simm.s32 $0x3;
	[dreg:$0x1c] =	wrdreg s28  }
0x2f: {  	s23 =	simm.s32 $0x6;
	s21 =	sadd.s32 s9, s2;
	[dreg:$0x15] =	wrdreg s25  }
0x30: {  	v0 =	vimm.f32 $0.0e+00;
	s9 =	simm.s32 $0xA;
	[dreg:$0x19] =	wrdreg s21;
	s21 =	simm.s32 $0x1  }
.LBB2_6:
0x31: {  	_ =	swait.ge [sflag:s10], $0x2800  }
0x32: {  	[sflag:s10] =	ssyncset.done $0x0  }
0x33: {  	[sflag:s10] =	ssyncadd.s32 $0xFFFFD800  }
0x34: {  	_ =	swait.ge [sflag:s11], $0x2800  }
0x35: {  	[sflag:s11] =	ssyncset.done $0x0  }
0x36: {  	[sflag:s11] =	ssyncadd.s32 $0xFFFFD800  }
0x37: {  	_ =	swait.ge [sflag:s22], $0x2800  }
0x38: {  	[sflag:s22] =	ssyncset.done $0x0  }
0x39: {  	s0 =	simm.s32 $0x1DD00;
	[sflag:s22] =	ssyncadd.s32 $0xFFFFD800  }
0x3a: {  	[spmem:s2] =	stream.indirect.scatter.add.f32 [tilespmem:s12], [sflag:$0x9], $0x80, s0, s14, $0xb8;
	[tilespmem:$0x1E080] =	vst v63  }
0x3b: {  	_ =	swait.ge [sflag:s8], $0x2800  }
0x3c: {  	[sflag:s8] =	ssyncset.done $0x0  }
0x3d: {  	[sflag:s8] =	ssyncadd.s32 $0xFFFFD800  }
0x3e: {  	s26 =	stileid.u32;
	[bflag:$0x0] =	sbarrier.arrive $0xFFFF  }
0x3f: {  	s0 =	sshll.u32 s26, $0x6;
	s25 =	rddreg [dreg:$0x15]  }
0x40: {  	s0 =	sor.u32 $0x1C0D, s0;
	s17 =	rddreg [dreg:$0x4];
	s4 =	sshrl.u32 s25, $0x3  }
0x41: {  	[hbm:s17], [sflag:s0] =	dma.local [spmem:s4], $0x500  }
0x42: {  	s29 =	rddreg [dreg:$0x16]  }
0x43: {  	s17 =	rddreg [dreg:$0x5];
	s28 =	sshrl.u32 s29, $0x3  }
0x44: {  	[hbm:s17], [sflag:s0] =	dma.local [spmem:s28], $0x500  }
0x45: {  	s30 =	rddreg [dreg:$0x17]  }
0x46: {  	s17 =	rddreg [dreg:$0x6];
	s26 =	sshrl.u32 s30, $0x3  }
0x47: {  	[hbm:s17], [sflag:s0] =	dma.local [spmem:s26], $0x500  }
0x48: {  	s31 =	rddreg [dreg:$0x18]  }
0x49: {  	s17 =	rddreg [dreg:$0x7];
	s28 =	sshrl.u32 s31, $0x3  }
0x4a: {  	[hbm:s17], [sflag:s0] =	dma.local [spmem:s28], $0x500  }
0x4b: {  	s4 =	rddreg [dreg:$0x19]  }
0x4c: {  	s17 =	rddreg [dreg:$0x8];
	s4 =	sshrl.u32 s4, $0x3  }
0x4d: {  	[hbm:s17], [sflag:s0] =	dma.local [spmem:s4], $0x500  }
0x4e: {  	s4 =	rddreg [dreg:$0x1a]  }
0x4f: {  	s17 =	rddreg [dreg:$0x9];
	s4 =	sshrl.u32 s4, $0x3  }
0x50: {  	[hbm:s17], [sflag:s0] =	dma.local [spmem:s4], $0x500  }
0x51: {  	s4 =	rddreg [dreg:$0x1b]  }
0x52: {  	s17 =	rddreg [dreg:$0xa];
	s4 =	sshrl.u32 s4, $0x3  }
0x53: {  	[hbm:s17], [sflag:s0] =	dma.local [spmem:s4], $0x500  }
0x54: {  	s4 =	rddreg [dreg:$0x1c]  }
0x55: {  	s17 =	rddreg [dreg:$0xb];
	s4 =	sshrl.u32 @!p0 s4, $0x3  }
0x56: {  	[hbm:s17], [sflag:s0] =	dma.local @!p0 [spmem:s4], $0x500  }
0x57: {  	_ =	swait.ge [sflag:s20], $0x500  }
0x58: {  	[sflag:s20] =	ssyncset.done $0x0  }
0x59: {  	[sflag:s20] =	ssyncadd.s32 $0xFFFFFB00  }
0x5a: {  	_ =	swait.ge [sflag:s20], $0x500  }
0x5b: {  	[sflag:s20] =	ssyncset.done $0x0  }
0x5c: {  	[sflag:s20] =	ssyncadd.s32 $0xFFFFFB00  }
0x5d: {  	_ =	swait.ge [sflag:s20], $0x500  }
0x5e: {  	[sflag:s20] =	ssyncset.done $0x0  }
0x5f: {  	[sflag:s20] =	ssyncadd.s32 $0xFFFFFB00  }
0x60: {  	_ =	swait.ge [sflag:s20], $0x500  }
0x61: {  	[sflag:s20] =	ssyncset.done $0x0  }
0x62: {  	[sflag:s20] =	ssyncadd.s32 $0xFFFFFB00  }
0x63: {  	_ =	swait.ge [sflag:s20], $0x500  }
0x64: {  	[sflag:s20] =	ssyncset.done $0x0  }
0x65: {  	[sflag:s20] =	ssyncadd.s32 $0xFFFFFB00  }
0x66: {  	_ =	swait.ge [sflag:s20], $0x500  }
0x67: {  	[sflag:s20] =	ssyncset.done $0x0  }
0x68: {  	[sflag:s20] =	ssyncadd.s32 $0xFFFFFB00  }
0x69: {  	_ =	swait.ge [sflag:s20], $0x500  }
0x6a: {  	[sflag:s20] =	ssyncset.done $0x0  }
0x6b: {  	s0 =	simm.s32 @!p1 $0xD;
	[sflag:s20] =	ssyncadd.s32 $0xFFFFFB00  }
0x6c: {  	_ =	swait.ge @!p1 [sflag:s0], $0x500  }
0x6d: {  	s26 =	rddreg [dreg:$0x1d]  }
0x6e: {  	s28 =	rddreg [dreg:$0x14];
	s17 =	sadd.s32 $0x1, s26  }
0x6f: {  	p2 =	sne.s32 s17, s28  }
.Ltmp1:
0x70: {  	_ = 	snop;
	(pc) =	sbr.rel @!p2 .LBB2_7-.Ltmp1, $3  }
0x71: {  	_ =	sdelay $0x1  }
0x72: {  	[sflag:s0] =	ssyncset.done @!p1 $0x0  }
0x73: {  	s4 =	simm.s32 $0x1D880;
	[sflag:s0] =	ssyncadd.s32 @!p1 $0xFFFFFB00  }
.LBB2_1:
0x74: {  	[dreg:$0x1d] =	wrdreg s17  }
0x75: {  	s0 =	rddreg [dreg:$0x10]  }
0x76: {  	[tilespmem:s4], [sflag:$0x1] =	stream.linear.gather [hbm4b:s0+s3], $0x80, $0x38;
	[tilespmem:$0x1E080] =	vst v63  }
0x77: {  	s17 =	rddreg [dreg:$0x11];
	s26 =	simm.s32 $0x1DC80  }
0x78: {  	[tilespmem:s26], [sflag:$0x1] =	stream.linear.gather [hbm4b:s17+s3], $0x80, $0x38;
	[tilespmem:$0x1E080] =	vst v63  }
0x79: {  	s17 =	rddreg [dreg:$0xc];
	s26 =	simm.s32 $0x1D980  }
0x7a: {  	[tilespmem:s26], [sflag:$0x2] =	stream.linear.gather [hbm4b:s17+s3], $0x80, $0x38;
	[tilespmem:$0x1E080] =	vst v63  }
0x7b: {  	s17 =	rddreg [dreg:$0xd];
	s26 =	simm.s32 $0x1DD80  }
0x7c: {  	[tilespmem:s26], [sflag:$0x2] =	stream.linear.gather [hbm4b:s17+s3], $0x80, $0x38;
	[tilespmem:$0x1E080] =	vst v63  }
0x7d: {  	s17 =	rddreg [dreg:$0xe];
	s26 =	simm.s32 $0x1DA80  }
0x7e: {  	[tilespmem:s26], [sflag:$0x3] =	stream.linear.gather [hbm4b:s17+s3], $0x80, $0x38;
	[tilespmem:$0x1E080] =	vst v63  }
0x7f: {  	s17 =	rddreg [dreg:$0xf];
	s26 =	simm.s32 $0x1DE80  }
0x80: {  	[tilespmem:s26], [sflag:$0x3] =	stream.linear.gather [hbm4b:s17+s3], $0x80, $0x38;
	[tilespmem:$0x1E080] =	vst v63  }
0x81: {  	s17 =	rddreg [dreg:$0x12];
	s26 =	simm.s32 $0x1DB80  }
0x82: {  	[tilespmem:s26], [sflag:$0x4] =	stream.linear.gather [hbm4b:s17+s3], $0x80, $0x38;
	[tilespmem:$0x1E080] =	vst v63  }
0x83: {  	s17 =	rddreg [dreg:$0x13];
	s26 =	simm.s32 $0x1DF80  }
0x84: {  	[tilespmem:s26], [sflag:$0x4] =	stream.linear.gather [hbm4b:s17+s3], $0x80, $0x38;
	[tilespmem:$0x1E080] =	vst v63  }
0x85: {  	s28 =	simm.s32 $0x3C0;
	s26 =	simm.s32 $0x70  }
.LBB2_2:
0x86: {  	p2 =	sne.s32 s28, $0x9FC0;
	[tilespmem:s26+$0x13880] =	vst v0  }
0x87: {  	[tilespmem:s26+$0x13810] =	vst v0  }
0x88: {  	[tilespmem:s26+$0x13820] =	vst v0  }
.Ltmp2:
0x89: {  	[tilespmem:s26+$0x13830] =	vst v0;
	(pc) =	sbr.rel @p2 .LBB2_2-.Ltmp2, $4  }
0x8a: {  	[tilespmem:s26+$0x13840] =	vst v0  }
0x8b: {  	[tilespmem:s26+$0x13850] =	vst v0  }
0x8c: {  	[tilespmem:s26+$0x13860] =	vst v0  }
0x8d: {  	[tilespmem:s26+$0x13870] =	vst v0;
	s26 =	sshra.s32 s28, $0x2;
	s28 =	sadd.s32 $0x200, s28  }
0x8e: {  	[tilespmem:s26+$0x13880] =	vst v0  }
0x8f: {  	[tilespmem:s26+$0x13810] =	vst v0  }
0x90: {  	[tilespmem:s26+$0x13820] =	vst v0  }
0x91: {  	[tilespmem:s26+$0x13830] =	vst v0  }
0x92: {  	[tilespmem:s26+$0x13840] =	vst v0  }
0x93: {  	[tilespmem:s26+$0x13850] =	vst v0  }
0x94: {  	[tilespmem:s26+$0x13860] =	vst v0  }
0x95: {  	[tilespmem:s26+$0x13870] =	vst v0  }
0x96: {  	[spmem:s25] =	stream.linear.scatter [tilespmem:s12], [sflag:$0xD], $0x2800, $0x38;
	[tilespmem:$0x1E080] =	vst v63  }
0x97: {  	_ = 	snop  }
0x98: {  	[spmem:s29] =	stream.linear.scatter [tilespmem:s12], [sflag:$0xD], $0x2800, $0x38;
	[tilespmem:$0x1E080] =	vst v63  }
0x99: {  	_ = 	snop  }
0x9a: {  	[spmem:s30] =	stream.linear.scatter [tilespmem:s12], [sflag:$0xD], $0x2800, $0x38;
	[tilespmem:$0x1E080] =	vst v63  }
0x9b: {  	_ = 	snop  }
0x9c: {  	[spmem:s31] =	stream.linear.scatter [tilespmem:s12], [sflag:$0xD], $0x2800, $0x38;
	[tilespmem:$0x1E080] =	vst v63  }
0x9d: {  	s0 =	rddreg [dreg:$0x19]  }
0x9e: {  	[spmem:s0] =	stream.linear.scatter [tilespmem:s12], [sflag:$0xD], $0x2800, $0x38;
	[tilespmem:$0x1E080] =	vst v63  }
0x9f: {  	s25 =	rddreg [dreg:$0x1a]  }
0xa0: {  	[spmem:s25] =	stream.linear.scatter [tilespmem:s12], [sflag:$0xD], $0x2800, $0x38;
	[tilespmem:$0x1E080] =	vst v63  }
0xa1: {  	s26 =	rddreg [dreg:$0x1b]  }
0xa2: {  	[spmem:s26] =	stream.linear.scatter [tilespmem:s12], [sflag:$0xD], $0x2800, $0x38;
	[tilespmem:$0x1E080] =	vst v63  }
0xa3: {  	s0 =	rddreg [dreg:$0x1c];
	s26 =	simm.s32 @!p0 $0x13880  }
0xa4: {  	[spmem:s0] =	stream.linear.scatter @!p0 [tilespmem:s26], [sflag:$0xD], $0x2800, $0x38;
	[tilespmem:$0x1E080] =	vst v63  }
0xa5: {  	_ =	swait.ge [sflag:s13], $0x80  }
0xa6: {  	[sflag:s13] =	ssyncset.done $0x0  }
0xa7: {  	[sflag:s13] =	ssyncadd.s32 $0xFFFFFF80  }
0xa8: {  	_ =	swait.ge [sflag:s13], $0x80  }
0xa9: {  	[sflag:s13] =	ssyncset.done $0x0  }
0xaa: {  	s29 =	simm.s32 $0x1D980;
	[sflag:s13] =	ssyncadd.s32 $0xFFFFFF80  }
0xab: {  	[tilespmem:s15], [sflag:$0x6] =	stream.indirect.gather [hbm4b:s1+s14], $0x80, s29, s14, $0xb8;
	[tilespmem:$0x1E080] =	vst v63  }
0xac: {  	_ =	swait.ge [sflag:s16], $0x80  }
0xad: {  	[sflag:s16] =	ssyncset.done $0x0  }
0xae: {  	[sflag:s16] =	ssyncadd.s32 $0xFFFFFF80  }
0xaf: {  	_ =	swait.ge [sflag:s16], $0x80  }
0xb0: {  	[sflag:s16] =	ssyncset.done $0x0  }
0xb1: {  	s17 =	simm.s32 $0x18880;
	s30 =	simm.s32 $0x1DA80;
	[sflag:s16] =	ssyncadd.s32 $0xFFFFFF80  }
0xb2: {  	[tilespmem:s17], [sflag:$0x7] =	stream.indirect.gather [hbm4b:s1+s14], $0x80, s30, s14, $0xb8;
	[tilespmem:$0x1E080] =	vst v63  }
0xb3: {  	_ =	swait.ge [sflag:s18], $0x80  }
0xb4: {  	[sflag:s18] =	ssyncset.done $0x0  }
0xb5: {  	[sflag:s18] =	ssyncadd.s32 $0xFFFFFF80  }
0xb6: {  	_ =	swait.ge [sflag:s18], $0x80  }
0xb7: {  	[sflag:s18] =	ssyncset.done $0x0  }
0xb8: {  	s31 =	simm.s32 $0x1DB80;
	[sflag:s18] =	ssyncadd.s32 $0xFFFFFF80  }
0xb9: {  	[tilespmem:s19], [sflag:$0x8] =	stream.indirect.gather [hbm4b:s1+s14], $0x80, s31, s14, $0xb8;
	[tilespmem:$0x1E080] =	vst v63  }
0xba: {  	_ =	swait.ge [sflag:s20], $0x2800  }
0xbb: {  	[sflag:s20] =	ssyncset.done $0x0  }
0xbc: {  	[sflag:s20] =	ssyncadd.s32 $0xFFFFD800  }
0xbd: {  	_ =	swait.ge [sflag:s20], $0x2800  }
0xbe: {  	[sflag:s20] =	ssyncset.done $0x0  }
0xbf: {  	[sflag:s20] =	ssyncadd.s32 $0xFFFFD800  }
0xc0: {  	_ =	swait.ge [sflag:s20], $0x2800  }
0xc1: {  	[sflag:s20] =	ssyncset.done $0x0  }
0xc2: {  	[sflag:s20] =	ssyncadd.s32 $0xFFFFD800  }
0xc3: {  	_ =	swait.ge [sflag:s20], $0x2800  }
0xc4: {  	[sflag:s20] =	ssyncset.done $0x0  }
0xc5: {  	[sflag:s20] =	ssyncadd.s32 $0xFFFFD800  }
0xc6: {  	_ =	swait.ge [sflag:s20], $0x2800  }
0xc7: {  	[sflag:s20] =	ssyncset.done $0x0  }
0xc8: {  	[sflag:s20] =	ssyncadd.s32 $0xFFFFD800  }
0xc9: {  	_ =	swait.ge [sflag:s20], $0x2800  }
0xca: {  	[sflag:s20] =	ssyncset.done $0x0  }
0xcb: {  	[sflag:s20] =	ssyncadd.s32 $0xFFFFD800  }
0xcc: {  	_ =	swait.ge [sflag:s20], $0x2800  }
0xcd: {  	[sflag:s20] =	ssyncset.done $0x0  }
0xce: {  	s26 =	simm.s32 @!p1 $0xD;
	[sflag:s20] =	ssyncadd.s32 $0xFFFFD800  }
0xcf: {  	_ =	swait.ge @!p1 [sflag:s26], $0x2800  }
0xd0: {  	[sflag:s26] =	ssyncset.done @!p1 $0x0  }
0xd1: {  	[sflag:s26] =	ssyncadd.s32 @!p1 $0xFFFFD800  }
0xd2: {  	_ =	swait.ge [sflag:s21], $0x80  }
0xd3: {  	[sflag:s21] =	ssyncset.done $0x0  }
0xd4: {  	[sflag:s21] =	ssyncadd.s32 $0xFFFFFF80  }
0xd5: {  	_ =	swait.ge [sflag:s21], $0x80  }
0xd6: {  	[sflag:s21] =	ssyncset.done $0x0  }
0xd7: {  	[sflag:s21] =	ssyncadd.s32 $0xFFFFFF80  }
0xd8: {  	[tilespmem:s12], [sflag:$0x5] =	stream.indirect.gather [hbm4b:s1+s14], $0x80, s4, s14, $0xb8;
	[tilespmem:$0x1E080] =	vst v63  }
0xd9: {  	s28 =	simm.s32 $0x380;
	s26 =	simm.s32 $0x0;
	[bflag:$0x0] =	sbarrier.arrive $0xFFFF  }
.LBB2_4:
0xda: {  	s29 =	sand.u32 $0x1, s26;
	_ =	swait.ge [sflag:s22], $0x2800  }
0xdb: {  	s4 =	sadd.s32 $0xFFFFFE80, s28;
	[sflag:s22] =	ssyncset.done $0x0;
	s30 =	sshll.u32 s29, $0x7  }
0xdc: {  	s0 =	sand.u32 $0x7C00, s4;
	[sflag:s22] =	ssyncadd.s32 $0xFFFFD800;
	s31 =	sadd.s32 $0x1DC80, s30  }
0xdd: {  	[spmem:s2] =	stream.indirect.scatter.add.f32 [tilespmem:s12], [sflag:$0x9], $0x80, s31, s14, $0xb8;
	[tilespmem:$0x1E080] =	vst v63  }
0xde: {  	s0 =	sadd.s32 s7, s0;
	s31 =	sand.u32 $0x200, s4  }
0xdf: {  	s29 =	sxor.u32 $0x1, s29;
	s0 =	sor.u32 s31, s0  }
0xe0: {  	s31 =	sshll.u32 s29, $0x7;
	s0 =	sshrl.u32 s0, $0x3  }
0xe1: {  	s4 =	sadd.s32 $0x1D880, s31;
	s25 =	sadd.s32 s5, s0  }
0xe2: {  	[tilespmem:s4], [sflag:$0x1] =	stream.linear.gather [hbm4b:s25+s3], $0x80, $0x38;
	[tilespmem:$0x1E080] =	vst v63  }
0xe3: {  	s17 =	sadd.s32 $0x1DC80, s31;
	s0 =	sadd.s32 s6, s0  }
0xe4: {  	[tilespmem:s17], [sflag:$0x1] =	stream.linear.gather [hbm4b:s0+s3], $0x80, $0x38;
	[tilespmem:$0x1E080] =	vst v63  }
0xe5: {  	_ =	swait.ge [sflag:s23], $0x2800  }
0xe6: {  	p2 =	seq.s32 s26, $0x1E;
	[sflag:s23] =	ssyncset.done $0x0  }
0xe7: {  	s25 =	sadd.s32 $0x1DD80, s30;
	s0 =	simm.s32 @p2 $0x7;
	[sflag:s23] =	ssyncadd.s32 $0xFFFFD800  }
0xe8: {  	[spmem:s2] =	stream.indirect.scatter.add.f32 [tilespmem:s15], [sflag:$0xA], $0x80, s25, s14, $0xb8;
	[tilespmem:$0x1E080] =	vst v63  }
0xe9: {  	_ =	swait.ge @p2 [sflag:s0], $0x2800  }
0xea: {  	s4 =	simm.s32 @p2 $0x50;
	[sflag:s0] =	ssyncset.done @p2 $0x0  }
0xeb: {  	s25 =	simm.s32 @p2 $0x18880;
	[sflag:s0] =	ssyncadd.s32 @p2 $0xFFFFD800;
	s0 =	sadd.s32 @p2 $0x1DE80, s30  }
0xec: {  	[spmem:s2] =	stream.indirect.scatter.add.f32 @p2 [tilespmem:s25], [sflag:$0xB], $0x80, s0, s4, $0xb8;
	[tilespmem:$0x1E080] =	vst v63  }
0xed: {  	s0 =	sadd.s32 @!p2 $0xFFFFFF00, s28  }
0xee: {  	s4 =	sand.u32 @!p2 $0x7C00, s0  }
0xef: {  	s0 =	sand.u32 @!p2 $0x280, s0;
	s4 =	sadd.s32 @!p2 s7, s4  }
0xf0: {  	s0 =	sor.u32 @!p2 s0, s4  }
0xf1: {  	s0 =	sshrl.u32 @!p2 s0, $0x3  }
0xf2: {  	s17 =	simm.s32 @!p2 $0x0;
	s4 =	sadd.s32 @!p2 $0x1D980, s31;
	s25 =	sadd.s32 @!p2 s5, s0  }
0xf3: {  	[tilespmem:s4], [sflag:$0x2] =	stream.linear.gather @!p2 [hbm4b:s25+s17], $0x80, $0x38;
	[tilespmem:$0x1E080] =	vst v63  }
0xf4: {  	s0 =	sadd.s32 @!p2 s6, s0;
	s4 =	sadd.s32 @!p2 $0x1DD80, s31  }
0xf5: {  	[tilespmem:s4], [sflag:$0x2] =	stream.linear.gather @!p2 [hbm4b:s0+s17], $0x80, $0x38;
	[tilespmem:$0x1E080] =	vst v63  }
0xf6: {  	s0 =	simm.s32 @!p2 $0x7  }
0xf7: {  	_ =	swait.ge @!p2 [sflag:s0], $0x2800  }
0xf8: {  	s25 =	simm.s32 @!p2 $0x18880;
	[sflag:s0] =	ssyncset.done @!p2 $0x0  }
0xf9: {  	s4 =	simm.s32 @!p2 $0x50;
	[sflag:s0] =	ssyncadd.s32 @!p2 $0xFFFFD800;
	s0 =	sadd.s32 @!p2 $0x1DE80, s30  }
0xfa: {  	[spmem:s2] =	stream.indirect.scatter.add.f32 @!p2 [tilespmem:s25], [sflag:$0xB], $0x80, s0, s4, $0xb8;
	[tilespmem:$0x1E080] =	vst v63  }
0xfb: {  	s0 =	sadd.s32 @!p2 $0xFFFFFF80, s28  }
0xfc: {  	s4 =	sand.u32 @!p2 $0x7C00, s0  }
0xfd: {  	s0 =	sand.u32 @!p2 $0x300, s0;
	s4 =	sadd.s32 @!p2 s7, s4  }
0xfe: {  	s0 =	sor.u32 @!p2 s0, s4  }
0xff: {  	s0 =	sshrl.u32 @!p2 s0, $0x3  }
0x100: {  	s4 =	sadd.s32 @!p2 $0x1DA80, s31;
	s25 =	sadd.s32 @!p2 s5, s0  }
0x101: {  	[tilespmem:s4], [sflag:$0x3] =	stream.linear.gather @!p2 [hbm4b:s25+s17], $0x80, $0x38;
	[tilespmem:$0x1E080] =	vst v63  }
0x102: {  	s0 =	sadd.s32 @!p2 s6, s0;
	s4 =	sadd.s32 @!p2 $0x1DE80, s31  }
0x103: {  	[tilespmem:s4], [sflag:$0x3] =	stream.linear.gather @!p2 [hbm4b:s0+s17], $0x80, $0x38;
	[tilespmem:$0x1E080] =	vst v63  }
0x104: {  	s0 =	sand.u32 @!p2 $0x7C00, s28  }
0x105: {  	s4 =	sand.u32 @!p2 $0x380, s28;
	_ =	swait.ge [sflag:s24], $0x2800;
	s0 =	sadd.s32 @!p2 s7, s0  }
0x106: {  	[sflag:s24] =	ssyncset.done $0x0;
	s0 =	sor.u32 @!p2 s4, s0  }
0x107: {  	s30 =	sadd.s32 $0x1DF80, s30;
	[sflag:s24] =	ssyncadd.s32 $0xFFFFD800;
	s0 =	sshrl.u32 @!p2 s0, $0x3  }
0x108: {  	[spmem:s2] =	stream.indirect.scatter.add.f32 [tilespmem:s19], [sflag:$0xC], $0x80, s30, s14, $0xb8;
	[tilespmem:$0x1E080] =	vst v63  }
0x109: {  	s4 =	sadd.s32 @!p2 $0x1DB80, s31;
	s25 =	sadd.s32 @!p2 s5, s0  }
0x10a: {  	[tilespmem:s4], [sflag:$0x4] =	stream.linear.gather @!p2 [hbm4b:s25+s17], $0x80, $0x38;
	[tilespmem:$0x1E080] =	vst v63  }
0x10b: {  	s0 =	sadd.s32 @!p2 s6, s0;
	s4 =	sadd.s32 @!p2 $0x1DF80, s31  }
0x10c: {  	[tilespmem:s4], [sflag:$0x4] =	stream.linear.gather @!p2 [hbm4b:s0+s17], $0x80, $0x38;
	[tilespmem:$0x1E080] =	vst v63  }
0x10d: {  	_ =	swait.ge [sflag:s8], $0x2800  }
0x10e: {  	[sflag:s8] =	ssyncset.done $0x0  }
0x10f: {  	[sflag:s8] =	ssyncadd.s32 $0xFFFFD800  }
0x110: {  	_ =	swait.ge [sflag:s21], $0x80  }
0x111: {  	[sflag:s21] =	ssyncset.done $0x0  }
0x112: {  	[sflag:s21] =	ssyncadd.s32 $0xFFFFFF80  }
0x113: {  	s31 =	sshll.u32 s29, $0x9;
	_ =	swait.ge [sflag:s21], $0x80  }
0x114: {  	s29 =	sshrl.u32 s31, $0x2;
	[sflag:s21] =	ssyncset.done $0x0  }
.Ltmp3:
0x115: {  	s0 =	sadd.s32 $0x1D880, s29;
	[sflag:s21] =	ssyncadd.s32 $0xFFFFFF80;
	(pc) =	sbr.rel @p2 .LBB2_6-.Ltmp3, $4  }
0x116: {  	[tilespmem:s12], [sflag:$0x5] =	stream.indirect.gather [hbm4b:s1+s14], $0x80, s0, s14, $0xb8;
	[tilespmem:$0x1E080] =	vst v63  }
0x117: {  	_ =	swait.ge [sflag:s9], $0x2800  }
0x118: {  	[sflag:s9] =	ssyncset.done $0x0  }
0x119: {  	[sflag:s9] =	ssyncadd.s32 $0xFFFFD800  }
0x11a: {  	_ =	swait.ge [sflag:s13], $0x80  }
0x11b: {  	[sflag:s13] =	ssyncset.done $0x0  }
0x11c: {  	[sflag:s13] =	ssyncadd.s32 $0xFFFFFF80  }
0x11d: {  	_ =	swait.ge [sflag:s13], $0x80  }
0x11e: {  	[sflag:s13] =	ssyncset.done $0x0  }
0x11f: {  	s0 =	sadd.s32 $0x1D980, s29;
	[sflag:s13] =	ssyncadd.s32 $0xFFFFFF80  }
0x120: {  	[tilespmem:s15], [sflag:$0x6] =	stream.indirect.gather [hbm4b:s1+s14], $0x80, s0, s14, $0xb8;
	[tilespmem:$0x1E080] =	vst v63  }
0x121: {  	_ =	swait.ge [sflag:s10], $0x2800  }
0x122: {  	[sflag:s10] =	ssyncset.done $0x0  }
0x123: {  	[sflag:s10] =	ssyncadd.s32 $0xFFFFD800  }
0x124: {  	_ =	swait.ge [sflag:s16], $0x80  }
0x125: {  	[sflag:s16] =	ssyncset.done $0x0  }
0x126: {  	[sflag:s16] =	ssyncadd.s32 $0xFFFFFF80  }
0x127: {  	_ =	swait.ge [sflag:s16], $0x80  }
0x128: {  	[sflag:s16] =	ssyncset.done $0x0  }
0x129: {  	s30 =	sadd.s32 $0x1DA80, s29;
	s4 =	simm.s32 $0x18880;
	[sflag:s16] =	ssyncadd.s32 $0xFFFFFF80  }
0x12a: {  	[tilespmem:s4], [sflag:$0x7] =	stream.indirect.gather [hbm4b:s1+s14], $0x80, s30, s14, $0xb8;
	[tilespmem:$0x1E080] =	vst v63  }
0x12b: {  	_ =	swait.ge [sflag:s11], $0x2800  }
0x12c: {  	[sflag:s11] =	ssyncset.done $0x0  }
0x12d: {  	[sflag:s11] =	ssyncadd.s32 $0xFFFFD800  }
0x12e: {  	_ =	swait.ge [sflag:s18], $0x80  }
0x12f: {  	[sflag:s18] =	ssyncset.done $0x0  }
.Ltmp4:
0x130: {  	[sflag:s18] =	ssyncadd.s32 $0xFFFFFF80;
	(pc) =	sbr.rel .LBB2_4-.Ltmp4, $4  }
0x131: {  	_ =	swait.ge [sflag:s18], $0x80  }
0x132: {  	s31 =	sadd.s32 $0x1DB80, s29;
	[sflag:s18] =	ssyncset.done $0x0  }
0x133: {  	s26 =	sadd.s32 $0x1, s26;
	s28 =	sadd.s32 $0x200, s28;
	[sflag:s18] =	ssyncadd.s32 $0xFFFFFF80  }
0x134: {  	[tilespmem:s19], [sflag:$0x8] =	stream.indirect.gather [hbm4b:s1+s14], $0x80, s31, s14, $0xb8;
	[tilespmem:$0x1E080] =	vst v63  }
.LBB2_7:
0x135: {  	_ =	sfence.sel $0x180000  }
0x136: {  	[bflag:$0x0] =	sbarrier.arrive $0xFFFF  }
0x137: {  	_ =	strace $0x90000047  }
0x138: {  	s0 =	stileid.u32;
	[bflag:$0x2] =	sbarrier.arrive $0xFFFF  }
0x139: {  	p0 =	sne.s32 s0, $0x0;
	s0 =	rddreg [dreg:$0x3]  }
0x13a: {  	s0 =	sadd.s32 @!p0 $0x100000, s0  }
0x13b: {  	[sflag:s0] =	ssyncadd.tile.s32 @!p0 $0x1;
	_ =	shalt  }
.Lfunc_end2:
_tile_overlayer_lowered:
.L_overlay_start_2:
0x13c: {  	(tag) =	ssettag $0x2  }
0x13d: {  	s0 =	rddreg [dreg:$0x0];
	s2 =	stileid.u32  }
0x13e: {  	s1 =	rddreg [dreg:$0x1];
	p0 =	sne.s32 s2, $0x0  }
0x13f: {  	s3 =	rddreg [dreg:$0x2];
	[bflag:$0x3] =	sbarrier.arrive $0xFFFF;
	s2 =	simm.s32 @!p0 $0x1C0E  }
0x140: {  	[timem:s3], [sflag:s2] =	dma.local @!p0 [hbm:s0], s1  }
0x141: {  	s0 =	simm.s32 @!p0 $0xE  }
0x142: {  	_ =	swait.ge @!p0 [sflag:s0], s1  }
0x143: {  	s1 =	ssub.s32 @!p0 $0x0, s1;
	[sflag:s0] =	ssyncset.done @!p0 $0x0  }
0x144: {  	[sflag:s0] =	ssyncadd.s32 @!p0 s1  }
0x145: {  	[bflag:$0x3] =	sbarrier.arrive $0xFFFF  }
0x146: {  	_ =	shalt  }

</sc_bundles>
